<compile_context>
chip_gen: v7x
topology: tpu7x:2x2x1
jax: 0.10.2.dev20260603
libtpu: 0.0.44.dev20260713+nightly
codegen_flags: <defaults>
</compile_context>

<pallas_src>
import functools

import jax
import jax.numpy as jnp
from jax import lax
from jax.experimental import pallas as pl
from jax.experimental.pallas import tpu as pltpu
from jax.experimental.pallas import tpu_sc as plsc

B, C, N, K, OUT = 4, 128, 4096, 20, 256
BN = B * N
KPAD = 24
R = 256
NEG_INF = float("-inf")

NC, NS = 2, 16
NW = NC * NS
RPW = BN // NW
CH = 32
NCH = RPW // CH


def _knn_body(xt_ref, xf_ref, wcat_ref, idx_ref, u_ref, v_ref):
    b = pl.program_id(0)
    xtile = xt_ref[0]
    xfull = xf_ref[0]
    uv = lax.dot_general(xtile, wcat_ref[...], (((0,), (0,)), ((), ())),
                         preferred_element_type=jnp.float32)
    u_ref[0] = uv[:, :OUT]
    v_ref[0] = uv[:, OUT:]

    inner = lax.dot_general(xtile, xfull, (((0,), (0,)), ((), ())),
                            preferred_element_type=jnp.float32)
    xx_col = jnp.sum(xfull * xfull, axis=0, keepdims=True)
    dist = 2.0 * inner - xx_col
    iota = lax.broadcasted_iota(jnp.int32, (R, N), 1)
    base = b * N
    am0 = None
    for kk in range(K):
        m = jnp.max(dist, axis=1, keepdims=True)
        cand = jnp.where(dist == m, iota, N)
        am = jnp.min(cand, axis=1, keepdims=True)
        idx_ref[0, :, kk:kk + 1] = am + base
        if am0 is None:
            am0 = am + base
        dist = jnp.where(iota == am, NEG_INF, dist)
    for kk in range(K, KPAD):
        idx_ref[0, :, kk:kk + 1] = am0


def _run_knn(x, wcat):
    return pl.pallas_call(
        _knn_body,
        grid=(B, N // R),
        in_specs=[
            pl.BlockSpec((1, C, R), lambda b, rb: (b, 0, rb)),
            pl.BlockSpec((1, C, N), lambda b, rb: (b, 0, 0)),
            pl.BlockSpec((C, 2 * OUT), lambda b, rb: (0, 0)),
        ],
        out_specs=[
            pl.BlockSpec((1, R, KPAD), lambda b, rb: (b, rb, 0)),
            pl.BlockSpec((1, R, OUT), lambda b, rb: (b, rb, 0)),
            pl.BlockSpec((1, R, OUT), lambda b, rb: (b, rb, 0)),
        ],
        out_shape=[
            jax.ShapeDtypeStruct((B, N, KPAD), jnp.int32),
            jax.ShapeDtypeStruct((B, N, OUT), jnp.float32),
            jax.ShapeDtypeStruct((B, N, OUT), jnp.float32),
        ],
    )(x, x, wcat)


def _sc_body(u_hbm, idx_hbm, s_hbm, q_hbm, mx_hbm, mn_hbm,
             idx_v, g_v, st_v, sem0, sem1, semd):
    cid = lax.axis_index("c")
    sid = lax.axis_index("s")
    wid = sid * NC + cid
    base = wid * RPW

    pltpu.sync_copy(idx_hbm.at[pl.ds(base * KPAD, RPW * KPAD)], idx_v)

    def fire(local_r, gbuf, sem):
        src = u_hbm.at[idx_v.at[pl.ds(local_r * KPAD, K)]]
        pltpu.async_copy(src, gbuf, sem)

    def reduce_row(bi, jc):
        def chunk(c, carry):
            off = c * 16
            g0 = g_v[bi, 0, pl.ds(off, 16)]
            accs, accq, accM, accm = g0, g0 * g0, g0, g0
            for k in range(1, K):
                gk = g_v[bi, k, pl.ds(off, 16)]
                accs = accs + gk
                accq = accq + gk * gk
                accM = jnp.maximum(accM, gk)
                accm = jnp.minimum(accm, gk)
            st_v[0, jc, pl.ds(off, 16)] = accs
            st_v[1, jc, pl.ds(off, 16)] = accq
            st_v[2, jc, pl.ds(off, 16)] = accM
            st_v[3, jc, pl.ds(off, 16)] = accm
            return carry
        lax.fori_loop(0, OUT // 16, chunk, 0)

    fire(0, g_v.at[0], sem0)
    fire(1, g_v.at[1], sem1)

    def outer(ch, carry):
        def pair(j2, carry2):
            r0 = ch * CH + 2 * j2
            pltpu.make_async_copy(u_hbm.at[idx_v.at[pl.ds(r0 * KPAD, K)]],
                                  g_v.at[0], sem0).wait()
            reduce_row(0, 2 * j2)

            @pl.when(r0 + 2 < RPW)
            def _():
                fire(r0 + 2, g_v.at[0], sem0)

            pltpu.make_async_copy(
                u_hbm.at[idx_v.at[pl.ds((r0 + 1) * KPAD, K)]],
                g_v.at[1], sem1).wait()
            reduce_row(1, 2 * j2 + 1)

            @pl.when(r0 + 3 < RPW)
            def _():
                fire(r0 + 3, g_v.at[1], sem1)
            return carry2
        lax.fori_loop(0, CH // 2, pair, 0)

        row0 = base + ch * CH
        cps = [
            pltpu.async_copy(st_v.at[0], s_hbm.at[pl.ds(row0, CH), :], semd),
            pltpu.async_copy(st_v.at[1], q_hbm.at[pl.ds(row0, CH), :], semd),
            pltpu.async_copy(st_v.at[2], mx_hbm.at[pl.ds(row0, CH), :], semd),
            pltpu.async_copy(st_v.at[3], mn_hbm.at[pl.ds(row0, CH), :], semd),
        ]
        for cp in cps:
            cp.wait()
        return carry
    lax.fori_loop(0, NCH, outer, 0)


def _run_sc(u2, idx2):
    mesh = plsc.VectorSubcoreMesh(core_axis_name="c", subcore_axis_name="s",
                                  num_cores=NC, num_subcores=NS)
    f = pl.kernel(
        _sc_body,
        out_type=[jax.ShapeDtypeStruct((BN, OUT), jnp.float32)] * 4,
        mesh=mesh,
        scratch_types=[
            pltpu.VMEM((RPW * KPAD,), jnp.int32),
            pltpu.VMEM((2, K, OUT), jnp.float32),
            pltpu.VMEM((4, CH, OUT), jnp.float32),
            pltpu.SemaphoreType.DMA,
            pltpu.SemaphoreType.DMA,
            pltpu.SemaphoreType.DMA,
        ],
    )
    return f(u2, idx2)


_C1_ROWS = 1024
_C1_STEPS = BN // _C1_ROWS


def _c1_body(s_ref, q_ref, v_ref, gam_ref, bet_ref, stats_ref, acc_ref):
    step = pl.program_id(0)

    @pl.when(step == 0)
    def _():
        acc_ref[...] = jnp.zeros_like(acc_ref)

    sb = s_ref[...]
    qb = q_ref[...]
    vb = v_ref[...]
    acc_ref[0:1] += jnp.sum(sb, axis=0, keepdims=True)
    acc_ref[1:2] += jnp.sum(qb, axis=0, keepdims=True)
    acc_ref[2:3] += jnp.sum(vb * sb, axis=0, keepdims=True)
    acc_ref[3:4] += jnp.sum(vb, axis=0, keepdims=True)
    acc_ref[4:5] += jnp.sum(vb * vb, axis=0, keepdims=True)

    @pl.when(step == _C1_STEPS - 1)
    def _():
        inv = jnp.float32(1.0 / (BN * K))
        t1 = acc_ref[0:1]
        t2 = acc_ref[1:2]
        p = acc_ref[2:3]
        sv = acc_ref[3:4]
        sv2 = acc_ref[4:5]
        mean = (t1 + K * sv) * inv
        ey2 = (t2 + 2.0 * p + K * sv2) * inv
        var = ey2 - mean * mean
        scale = gam_ref[...] * lax.rsqrt(var + 1e-5)
        shift = bet_ref[...] - mean * scale
        stats_ref[0:1] = scale
        stats_ref[1:2] = shift


def _run_c1(s2, q2, v2, gamma, beta):
    return pl.pallas_call(
        _c1_body,
        grid=(_C1_STEPS,),
        in_specs=[
            pl.BlockSpec((_C1_ROWS, OUT), lambda i: (i, 0)),
            pl.BlockSpec((_C1_ROWS, OUT), lambda i: (i, 0)),
            pl.BlockSpec((_C1_ROWS, OUT), lambda i: (i, 0)),
            pl.BlockSpec((1, OUT), lambda i: (0, 0)),
            pl.BlockSpec((1, OUT), lambda i: (0, 0)),
        ],
        out_specs=pl.BlockSpec((2, OUT), lambda i: (0, 0)),
        out_shape=jax.ShapeDtypeStruct((2, OUT), jnp.float32),
        scratch_shapes=[pltpu.VMEM((8, OUT), jnp.float32)],
    )(s2, q2, v2, gamma, beta)


_C2_T = 512


def _c2_body(mx_ref, mn_ref, v_ref, stats_ref, gam_ref, out_ref):
    mxb = mx_ref[0]
    mnb = mn_ref[0]
    vb = v_ref[0]
    scale = stats_ref[0:1]
    shift = stats_ref[1:2]
    sel = jnp.where(gam_ref[...] >= 0.0, mxb, mnb)
    z = (sel + vb) * scale + shift
    res = jnp.where(z >= 0.0, z, 0.2 * z)
    out_ref[0] = res.T


def _run_c2(mx3, mn3, v3, stats, gamma):
    return pl.pallas_call(
        _c2_body,
        grid=(B, N // _C2_T),
        in_specs=[
            pl.BlockSpec((1, _C2_T, OUT), lambda b, t: (b, t, 0)),
            pl.BlockSpec((1, _C2_T, OUT), lambda b, t: (b, t, 0)),
            pl.BlockSpec((1, _C2_T, OUT), lambda b, t: (b, t, 0)),
            pl.BlockSpec((2, OUT), lambda b, t: (0, 0)),
            pl.BlockSpec((1, OUT), lambda b, t: (0, 0)),
        ],
        out_specs=pl.BlockSpec((1, OUT, _C2_T), lambda b, t: (b, 0, t)),
        out_shape=jax.ShapeDtypeStruct((B, OUT, N), jnp.float32),
    )(mx3, mn3, v3, stats, gamma)


def kernel(x, W, gamma, beta):
    w1t = jnp.transpose(W[:, :C])
    w2t = jnp.transpose(W[:, C:])
    wcat = jnp.concatenate([w1t, w2t - w1t], axis=1)

    idx, u, v = _run_knn(x, wcat)
    u2 = u.reshape(BN, OUT)
    idx2 = idx.reshape(BN * KPAD)

    s2, q2, mx2, mn2 = _run_sc(u2, idx2)

    g2 = gamma.reshape(1, OUT)
    b2 = beta.reshape(1, OUT)
    stats = _run_c1(s2, q2, v.reshape(BN, OUT), g2, b2)

    return _run_c2(mx2.reshape(B, N, OUT), mn2.reshape(B, N, OUT),
                   v, stats, g2)

# --- scband reference (transcript-rebuilt; emitter-appended) ---
"""Pipeline reference for scband-efficient-edge-conv-36481452213111 (READ-ONLY COPY).

The authoritative reference and input builder live on the scoring server;
editing this copy changes nothing except your own understanding.
"""

import jax, jax.numpy as jnp
import numpy as np

B, C, N, K, OUT = 4, 128, 4096, 20, 256

def setup_inputs(seed: int = 0) -> dict:
    key = jax.random.key(seed)
    k1, k2 = jax.random.split(key, 2)
    x = jax.random.normal(k1, (B, C, N), dtype=jnp.float32)
    W = jax.random.normal(k2, (OUT, 2 * C), dtype=jnp.float32) * (1.0 / np.sqrt(2 * C))
    gamma = jnp.ones((OUT,), jnp.float32)
    beta = jnp.zeros((OUT,), jnp.float32)
    return {"x": x, "W": W, "gamma": gamma, "beta": beta}

def reference(x, W, gamma, beta):
    k = K
    # kNN via pairwise negative squared distances (non-chunked path, N <= chunk_size)
    xt = jnp.transpose(x, (0, 2, 1))                      # [B, N, C]
    inner = -2.0 * jnp.matmul(xt, x)                      # [B, N, N]
    xx = jnp.sum(x * x, axis=1, keepdims=True)            # [B, 1, N]
    pairwise = -xx - inner - jnp.transpose(xx, (0, 2, 1))  # [B, N, N]
    idx = jax.lax.top_k(pairwise, k)[1]                   # [B, N, k]
    # edge feature construction: (neighbor - center, center)
    neighbors = jax.vmap(lambda xb, ib: xb[ib])(xt, idx)  # [B, N, k, C]
    center = jnp.broadcast_to(xt[:, :, None, :], neighbors.shape)
    feat = jnp.concatenate([neighbors - center, center], axis=-1)  # [B, N, k, 2C]
    # 1x1 Conv2d (bias=False) over channel dim
    y = jnp.einsum('oc,bnkc->bonk', W, feat)              # [B, OUT, N, k]
    # BatchNorm2d (training mode: batch statistics), eps=1e-5
    mean = jnp.mean(y, axis=(0, 2, 3), keepdims=True)
    var = jnp.var(y, axis=(0, 2, 3), keepdims=True)
    yn = (y - mean) / jnp.sqrt(var + 1e-5)
    yn = yn * gamma[None, :, None, None] + beta[None, :, None, None]
    # LeakyReLU(0.2)
    act = jnp.where(yn >= 0, yn, 0.2 * yn)
    # max over neighbors
    out = jnp.max(act, axis=-1)                           # [B, OUT, N]
    return out

if __name__ == "__main__":
    import jax
    _d = setup_inputs()
    print(jax.jit(kernel)(*tuple(_d.values())))

</pallas_src>

<mosaic_0001>
#map = affine_map<(d0, d1) -> (0, 0)>
#map1 = affine_map<(d0, d1) -> (0)>
module attributes {stable_mosaic.version = 14 : i64} {
  func.func @_sc_body(%arg0: i32, %arg1: i32, %arg2: memref<16384x256xf32, #tpu.memory_space<hbm>>, %arg3: memref<393216xi32, #tpu.memory_space<hbm>>, %arg4: memref<16384x256xf32, #tpu.memory_space<hbm>>, %arg5: memref<16384x256xf32, #tpu.memory_space<hbm>>, %arg6: memref<16384x256xf32, #tpu.memory_space<hbm>>, %arg7: memref<16384x256xf32, #tpu.memory_space<hbm>>, %arg8: memref<12288xi32, #tpu.memory_space<vmem>>, %arg9: memref<2x20x256xf32, #tpu.memory_space<vmem>>, %arg10: memref<4x32x256xf32, #tpu.memory_space<vmem>>, %arg11: memref<!tpu.dma_semaphore, #tpu.memory_space<semaphore_mem>>, %arg12: memref<!tpu.dma_semaphore, #tpu.memory_space<semaphore_mem>>, %arg13: memref<!tpu.dma_semaphore, #tpu.memory_space<semaphore_mem>>) attributes {dimension_semantics = [#tpu.dimension_semantics<core_parallel>, #tpu.dimension_semantics<subcore_parallel>], iteration_bounds = array<i64: 2, 16>, scalar_prefetch = 0 : i64, scratch_operands = 6 : i64, tpu.core_type = #tpu.core_type<sc_vector_subcore>, window_params = [{transform_indices = #map}, {transform_indices = #map1}, {transform_indices = #map}, {transform_indices = #map}, {transform_indices = #map}, {transform_indices = #map}]} {
    %mul3A = arith.constant 2 : i32
    %mul3A_0 = arith.muli %arg1, %mul3A : i32
    %add3A = arith.addi %mul3A_0, %arg0 : i32
    %mul3A_1 = arith.constant 512 : i32
    %mul3A_2 = arith.muli %add3A, %mul3A_1 : i32
    %mul3A_3 = arith.constant 24 : i32
    %mul3A_4 = arith.muli %mul3A_2, %mul3A_3 : i32
    "tpu.region"() ({
      %run_scoped3A = tpu.sem_alloc : memref<!tpu.dma_semaphore, #tpu.memory_space<semaphore_mem>>
      %dma_start3A_29 = tpu.memref_slice %arg3[%mul3A_4] : memref<393216xi32, #tpu.memory_space<hbm>> -> memref<12288xi32, #tpu.memory_space<hbm>>
      %dma_start3A_30 = tpu.memref_slice %arg3[%mul3A_4] : memref<393216xi32, #tpu.memory_space<hbm>> -> memref<12288xi32, #tpu.memory_space<hbm>>
      tpu.enqueue_dma source(%dma_start3A_30 : memref<12288xi32, #tpu.memory_space<hbm>>) target(%arg8 : memref<12288xi32, #tpu.memory_space<vmem>>) target_semaphore(%run_scoped3A : memref<!tpu.dma_semaphore, #tpu.memory_space<semaphore_mem>>)
      %dma_wait3A = tpu.memref_slice %arg3[%mul3A_4] : memref<393216xi32, #tpu.memory_space<hbm>> -> memref<12288xi32, #tpu.memory_space<hbm>>
      %dma_wait3A_31 = tpu.memref_slice %arg3[%mul3A_4] : memref<393216xi32, #tpu.memory_space<hbm>> -> memref<12288xi32, #tpu.memory_space<hbm>>
      tpu.wait_dma2 semaphore(%run_scoped3A : memref<!tpu.dma_semaphore, #tpu.memory_space<semaphore_mem>>) src(%dma_wait3A_31 : memref<12288xi32, #tpu.memory_space<hbm>>) dst(%arg8 : memref<12288xi32, #tpu.memory_space<vmem>>)
      tpu.yield
    }) : () -> ()
    %dma_start3A = arith.constant 0 : i32
    %dma_start3A_5 = arith.constant 0 : i32
    %dma_start3A_6 = arith.constant 0 : i32
    %dma_start3A_7 = tpu.memref_slice %arg9[%dma_start3A, %dma_start3A_5, %dma_start3A_6] : memref<2x20x256xf32, #tpu.memory_space<vmem>> -> memref<1x20x256xf32, #tpu.memory_space<vmem>>
    %dma_start3A_8 = tpu.memref_squeeze %dma_start3A_7 : memref<1x20x256xf32, #tpu.memory_space<vmem>> -> memref<20x256xf32, #tpu.memory_space<vmem>>
    %dma_start3A_9 = arith.constant 0 : i32
    %dma_start3A_10 = tpu.memref_slice %arg8[%dma_start3A_9] : memref<12288xi32, #tpu.memory_space<vmem>> -> memref<20xi32, #tpu.memory_space<vmem>>
    %dma_start3A_11 = arith.constant 0 : i32
    %dma_start3A_12 = arith.constant 0 : i32
    %dma_start3A_13 = tpu.memref_slice %arg2[%dma_start3A_11, %dma_start3A_12] : memref<16384x256xf32, #tpu.memory_space<hbm>> -> memref<16384x256xf32, #tpu.memory_space<hbm>>
    tpu.enqueue_indirect_dma source(%dma_start3A_13 : memref<16384x256xf32, #tpu.memory_space<hbm>>) target(%dma_start3A_8 : memref<20x256xf32, #tpu.memory_space<vmem>>) offsets(%dma_start3A_10 : memref<20xi32, #tpu.memory_space<vmem>>) semaphore(%arg11 : memref<!tpu.dma_semaphore, #tpu.memory_space<semaphore_mem>>)
    %dma_start3A_14 = arith.constant 1 : i32
    %dma_start3A_15 = arith.constant 0 : i32
    %dma_start3A_16 = arith.constant 0 : i32
    %dma_start3A_17 = tpu.memref_slice %arg9[%dma_start3A_14, %dma_start3A_15, %dma_start3A_16] : memref<2x20x256xf32, #tpu.memory_space<vmem>> -> memref<1x20x256xf32, #tpu.memory_space<vmem>>
    %dma_start3A_18 = tpu.memref_squeeze %dma_start3A_17 : memref<1x20x256xf32, #tpu.memory_space<vmem>> -> memref<20x256xf32, #tpu.memory_space<vmem>>
    %dma_start3A_19 = arith.constant 24 : i32
    %dma_start3A_20 = tpu.memref_slice %arg8[%dma_start3A_19] : memref<12288xi32, #tpu.memory_space<vmem>> -> memref<20xi32, #tpu.memory_space<vmem>>
    %dma_start3A_21 = arith.constant 0 : i32
    %dma_start3A_22 = arith.constant 0 : i32
    %dma_start3A_23 = tpu.memref_slice %arg2[%dma_start3A_21, %dma_start3A_22] : memref<16384x256xf32, #tpu.memory_space<hbm>> -> memref<16384x256xf32, #tpu.memory_space<hbm>>
    tpu.enqueue_indirect_dma source(%dma_start3A_23 : memref<16384x256xf32, #tpu.memory_space<hbm>>) target(%dma_start3A_18 : memref<20x256xf32, #tpu.memory_space<vmem>>) offsets(%dma_start3A_20 : memref<20xi32, #tpu.memory_space<vmem>>) semaphore(%arg12 : memref<!tpu.dma_semaphore, #tpu.memory_space<semaphore_mem>>)
    %scan3A = arith.constant 0 : i32
    %scan3A_24 = arith.constant 0 : i32
    %scan3A_25 = arith.constant 16 : i32
    %scan3A_26 = arith.addi %scan3A_24, %scan3A_25 : i32
    %scan3A_27 = arith.constant 1 : i32
    scf.for %scan3A_29 = %scan3A_24 to %scan3A_26 step %scan3A_27  : i32 {
      %scan3A_30 = arith.constant 0 : i32
      %scan3A_31 = arith.constant 0 : i32
      %scan3A_32 = arith.constant 16 : i32
      %scan3A_33 = arith.addi %scan3A_31, %scan3A_32 : i32
      %scan3A_34 = arith.constant 1 : i32
      scf.for %scan3A_142 = %scan3A_31 to %scan3A_33 step %scan3A_34  : i32 {
        %mul3A_143 = arith.constant 32 : i32
        %mul3A_144 = arith.muli %scan3A_29, %mul3A_143 : i32
        %mul3A_145 = arith.constant 2 : i32
        %mul3A_146 = arith.muli %mul3A_145, %scan3A_142 : i32
        %add3A_147 = arith.addi %mul3A_144, %mul3A_146 : i32
        %mul3A_148 = arith.constant 24 : i32
        %mul3A_149 = arith.muli %add3A_147, %mul3A_148 : i32
        %dma_wait3A_150 = arith.constant 0 : i32
        %dma_wait3A_151 = arith.constant 0 : i32
        %dma_wait3A_152 = arith.constant 0 : i32
        %dma_wait3A_153 = tpu.memref_slice %arg9[%dma_wait3A_150, %dma_wait3A_151, %dma_wait3A_152] : memref<2x20x256xf32, #tpu.memory_space<vmem>> -> memref<1x20x256xf32, #tpu.memory_space<vmem>>
        %dma_wait3A_154 = tpu.memref_squeeze %dma_wait3A_153 : memref<1x20x256xf32, #tpu.memory_space<vmem>> -> memref<20x256xf32, #tpu.memory_space<vmem>>
        %dma_wait3A_155 = tpu.memref_slice %arg8[%mul3A_149] : memref<12288xi32, #tpu.memory_space<vmem>> -> memref<20xi32, #tpu.memory_space<vmem>>
        %dma_wait3A_156 = arith.constant 0 : i32
        %dma_wait3A_157 = arith.constant 0 : i32
        %dma_wait3A_158 = tpu.memref_slice %arg2[%dma_wait3A_156, %dma_wait3A_157] : memref<16384x256xf32, #tpu.memory_space<hbm>> -> memref<16384x256xf32, #tpu.memory_space<hbm>>
        tpu.wait_indirect_dma semaphore(%arg11 : memref<!tpu.dma_semaphore, #tpu.memory_space<semaphore_mem>>) src(%dma_wait3A_158 : memref<16384x256xf32, #tpu.memory_space<hbm>>) dst(%dma_wait3A_154 : memref<20x256xf32, #tpu.memory_space<vmem>>)
        %mul3A_159 = arith.constant 2 : i32
        %mul3A_160 = arith.muli %mul3A_159, %scan3A_142 : i32
        %scan3A_161 = arith.constant 0 : i32
        %scan3A_162 = arith.constant 0 : i32
        %scan3A_163 = arith.constant 16 : i32
        %scan3A_164 = arith.addi %scan3A_162, %scan3A_163 : i32
        %scan3A_165 = arith.constant 1 : i32
        scf.for %scan3A_201 = %scan3A_162 to %scan3A_164 step %scan3A_165  : i32 {
          %mul3A_202 = arith.constant 16 : i32
          %mul3A_203 = arith.muli %scan3A_201, %mul3A_202 : i32
          %get3A = arith.constant 0 : i32
          %get3A_204 = arith.constant 0 : i32
          %get3A_205 = arith.index_cast %get3A : i32 to index
          %get3A_206 = arith.index_cast %get3A_204 : i32 to index
          %get3A_207 = arith.index_cast %mul3A_203 : i32 to index
          %get3A_208 = tpu.vector_load %arg9[%get3A_205, %get3A_206, %get3A_207] {strides = array<i32>} : memref<2x20x256xf32, #tpu.memory_space<vmem>>, vector<1x1x16xf32>,
          %get3A_209 = vector.shape_cast %get3A_208 : vector<1x1x16xf32> to vector<16xf32>
          %mul3A_210 = arith.mulf %get3A_209, %get3A_209 : vector<16xf32>
          %get3A_211 = arith.constant 0 : i32
          %get3A_212 = arith.constant 1 : i32
          %get3A_213 = arith.index_cast %get3A_211 : i32 to index
          %get3A_214 = arith.index_cast %get3A_212 : i32 to index
          %get3A_215 = arith.index_cast %mul3A_203 : i32 to index
          %get3A_216 = tpu.vector_load %arg9[%get3A_213, %get3A_214, %get3A_215] {strides = array<i32>} : memref<2x20x256xf32, #tpu.memory_space<vmem>>, vector<1x1x16xf32>,
          %get3A_217 = vector.shape_cast %get3A_216 : vector<1x1x16xf32> to vector<16xf32>
          %add3A_218 = arith.addf %get3A_209, %get3A_217 : vector<16xf32>
          %mul3A_219 = arith.mulf %get3A_217, %get3A_217 : vector<16xf32>
          %add3A_220 = arith.addf %mul3A_210, %mul3A_219 : vector<16xf32>
          %max3A = arith.maximumf %get3A_209, %get3A_217 : vector<16xf32>
          %min3A = arith.minimumf %get3A_209, %get3A_217 : vector<16xf32>
          %get3A_221 = arith.constant 0 : i32
          %get3A_222 = arith.constant 2 : i32
          %get3A_223 = arith.index_cast %get3A_221 : i32 to index
          %get3A_224 = arith.index_cast %get3A_222 : i32 to index
          %get3A_225 = arith.index_cast %mul3A_203 : i32 to index
          %get3A_226 = tpu.vector_load %arg9[%get3A_223, %get3A_224, %get3A_225] {strides = array<i32>} : memref<2x20x256xf32, #tpu.memory_space<vmem>>, vector<1x1x16xf32>,
          %get3A_227 = vector.shape_cast %get3A_226 : vector<1x1x16xf32> to vector<16xf32>
          %add3A_228 = arith.addf %add3A_218, %get3A_227 : vector<16xf32>
          %mul3A_229 = arith.mulf %get3A_227, %get3A_227 : vector<16xf32>
          %add3A_230 = arith.addf %add3A_220, %mul3A_229 : vector<16xf32>
          %max3A_231 = arith.maximumf %max3A, %get3A_227 : vector<16xf32>
          %min3A_232 = arith.minimumf %min3A, %get3A_227 : vector<16xf32>
          %get3A_233 = arith.constant 0 : i32
          %get3A_234 = arith.constant 3 : i32
          %get3A_235 = arith.index_cast %get3A_233 : i32 to index
          %get3A_236 = arith.index_cast %get3A_234 : i32 to index
          %get3A_237 = arith.index_cast %mul3A_203 : i32 to index
          %get3A_238 = tpu.vector_load %arg9[%get3A_235, %get3A_236, %get3A_237] {strides = array<i32>} : memref<2x20x256xf32, #tpu.memory_space<vmem>>, vector<1x1x16xf32>,
          %get3A_239 = vector.shape_cast %get3A_238 : vector<1x1x16xf32> to vector<16xf32>
          %add3A_240 = arith.addf %add3A_228, %get3A_239 : vector<16xf32>
          %mul3A_241 = arith.mulf %get3A_239, %get3A_239 : vector<16xf32>
          %add3A_242 = arith.addf %add3A_230, %mul3A_241 : vector<16xf32>
          %max3A_243 = arith.maximumf %max3A_231, %get3A_239 : vector<16xf32>
          %min3A_244 = arith.minimumf %min3A_232, %get3A_239 : vector<16xf32>
          %get3A_245 = arith.constant 0 : i32
          %get3A_246 = arith.constant 4 : i32
          %get3A_247 = arith.index_cast %get3A_245 : i32 to index
          %get3A_248 = arith.index_cast %get3A_246 : i32 to index
          %get3A_249 = arith.index_cast %mul3A_203 : i32 to index
          %get3A_250 = tpu.vector_load %arg9[%get3A_247, %get3A_248, %get3A_249] {strides = array<i32>} : memref<2x20x256xf32, #tpu.memory_space<vmem>>, vector<1x1x16xf32>,
          %get3A_251 = vector.shape_cast %get3A_250 : vector<1x1x16xf32> to vector<16xf32>
          %add3A_252 = arith.addf %add3A_240, %get3A_251 : vector<16xf32>
          %mul3A_253 = arith.mulf %get3A_251, %get3A_251 : vector<16xf32>
          %add3A_254 = arith.addf %add3A_242, %mul3A_253 : vector<16xf32>
          %max3A_255 = arith.maximumf %max3A_243, %get3A_251 : vector<16xf32>
          %min3A_256 = arith.minimumf %min3A_244, %get3A_251 : vector<16xf32>
          %get3A_257 = arith.constant 0 : i32
          %get3A_258 = arith.constant 5 : i32
          %get3A_259 = arith.index_cast %get3A_257 : i32 to index
          %get3A_260 = arith.index_cast %get3A_258 : i32 to index
          %get3A_261 = arith.index_cast %mul3A_203 : i32 to index
          %get3A_262 = tpu.vector_load %arg9[%get3A_259, %get3A_260, %get3A_261] {strides = array<i32>} : memref<2x20x256xf32, #tpu.memory_space<vmem>>, vector<1x1x16xf32>,
          %get3A_263 = vector.shape_cast %get3A_262 : vector<1x1x16xf32> to vector<16xf32>
          %add3A_264 = arith.addf %add3A_252, %get3A_263 : vector<16xf32>
          %mul3A_265 = arith.mulf %get3A_263, %get3A_263 : vector<16xf32>
          %add3A_266 = arith.addf %add3A_254, %mul3A_265 : vector<16xf32>
          %max3A_267 = arith.maximumf %max3A_255, %get3A_263 : vector<16xf32>
          %min3A_268 = arith.minimumf %min3A_256, %get3A_263 : vector<16xf32>
          %get3A_269 = arith.constant 0 : i32
          %get3A_270 = arith.constant 6 : i32
          %get3A_271 = arith.index_cast %get3A_269 : i32 to index
          %get3A_272 = arith.index_cast %get3A_270 : i32 to index
          %get3A_273 = arith.index_cast %mul3A_203 : i32 to index
          %get3A_274 = tpu.vector_load %arg9[%get3A_271, %get3A_272, %get3A_273] {strides = array<i32>} : memref<2x20x256xf32, #tpu.memory_space<vmem>>, vector<1x1x16xf32>,
          %get3A_275 = vector.shape_cast %get3A_274 : vector<1x1x16xf32> to vector<16xf32>
          %add3A_276 = arith.addf %add3A_264, %get3A_275 : vector<16xf32>
          %mul3A_277 = arith.mulf %get3A_275, %get3A_275 : vector<16xf32>
          %add3A_278 = arith.addf %add3A_266, %mul3A_277 : vector<16xf32>
          %max3A_279 = arith.maximumf %max3A_267, %get3A_275 : vector<16xf32>
          %min3A_280 = arith.minimumf %min3A_268, %get3A_275 : vector<16xf32>
          %get3A_281 = arith.constant 0 : i32
          %get3A_282 = arith.constant 7 : i32
          %get3A_283 = arith.index_cast %get3A_281 : i32 to index
          %get3A_284 = arith.index_cast %get3A_282 : i32 to index
          %get3A_285 = arith.index_cast %mul3A_203 : i32 to index
          %get3A_286 = tpu.vector_load %arg9[%get3A_283, %get3A_284, %get3A_285] {strides = array<i32>} : memref<2x20x256xf32, #tpu.memory_space<vmem>>, vector<1x1x16xf32>,
          %get3A_287 = vector.shape_cast %get3A_286 : vector<1x1x16xf32> to vector<16xf32>
          %add3A_288 = arith.addf %add3A_276, %get3A_287 : vector<16xf32>
          %mul3A_289 = arith.mulf %get3A_287, %get3A_287 : vector<16xf32>
          %add3A_290 = arith.addf %add3A_278, %mul3A_289 : vector<16xf32>
          %max3A_291 = arith.maximumf %max3A_279, %get3A_287 : vector<16xf32>
          %min3A_292 = arith.minimumf %min3A_280, %get3A_287 : vector<16xf32>
          %get3A_293 = arith.constant 0 : i32
          %get3A_294 = arith.constant 8 : i32
          %get3A_295 = arith.index_cast %get3A_293 : i32 to index
          %get3A_296 = arith.index_cast %get3A_294 : i32 to index
          %get3A_297 = arith.index_cast %mul3A_203 : i32 to index
          %get3A_298 = tpu.vector_load %arg9[%get3A_295, %get3A_296, %get3A_297] {strides = array<i32>} : memref<2x20x256xf32, #tpu.memory_space<vmem>>, vector<1x1x16xf32>,
          %get3A_299 = vector.shape_cast %get3A_298 : vector<1x1x16xf32> to vector<16xf32>
          %add3A_300 = arith.addf %add3A_288, %get3A_299 : vector<16xf32>
          %mul3A_301 = arith.mulf %get3A_299, %get3A_299 : vector<16xf32>
          %add3A_302 = arith.addf %add3A_290, %mul3A_301 : vector<16xf32>
          %max3A_303 = arith.maximumf %max3A_291, %get3A_299 : vector<16xf32>
          %min3A_304 = arith.minimumf %min3A_292, %get3A_299 : vector<16xf32>
          %get3A_305 = arith.constant 0 : i32
          %get3A_306 = arith.constant 9 : i32
          %get3A_307 = arith.index_cast %get3A_305 : i32 to index
          %get3A_308 = arith.index_cast %get3A_306 : i32 to index
          %get3A_309 = arith.index_cast %mul3A_203 : i32 to index
          %get3A_310 = tpu.vector_load %arg9[%get3A_307, %get3A_308, %get3A_309] {strides = array<i32>} : memref<2x20x256xf32, #tpu.memory_space<vmem>>, vector<1x1x16xf32>,
          %get3A_311 = vector.shape_cast %get3A_310 : vector<1x1x16xf32> to vector<16xf32>
          %add3A_312 = arith.addf %add3A_300, %get3A_311 : vector<16xf32>
          %mul3A_313 = arith.mulf %get3A_311, %get3A_311 : vector<16xf32>
          %add3A_314 = arith.addf %add3A_302, %mul3A_313 : vector<16xf32>
          %max3A_315 = arith.maximumf %max3A_303, %get3A_311 : vector<16xf32>
          %min3A_316 = arith.minimumf %min3A_304, %get3A_311 : vector<16xf32>
          %get3A_317 = arith.constant 0 : i32
          %get3A_318 = arith.constant 10 : i32
          %get3A_319 = arith.index_cast %get3A_317 : i32 to index
          %get3A_320 = arith.index_cast %get3A_318 : i32 to index
          %get3A_321 = arith.index_cast %mul3A_203 : i32 to index
          %get3A_322 = tpu.vector_load %arg9[%get3A_319, %get3A_320, %get3A_321] {strides = array<i32>} : memref<2x20x256xf32, #tpu.memory_space<vmem>>, vector<1x1x16xf32>,
          %get3A_323 = vector.shape_cast %get3A_322 : vector<1x1x16xf32> to vector<16xf32>
          %add3A_324 = arith.addf %add3A_312, %get3A_323 : vector<16xf32>
          %mul3A_325 = arith.mulf %get3A_323, %get3A_323 : vector<16xf32>
          %add3A_326 = arith.addf %add3A_314, %mul3A_325 : vector<16xf32>
          %max3A_327 = arith.maximumf %max3A_315, %get3A_323 : vector<16xf32>
          %min3A_328 = arith.minimumf %min3A_316, %get3A_323 : vector<16xf32>
          %get3A_329 = arith.constant 0 : i32
          %get3A_330 = arith.constant 11 : i32
          %get3A_331 = arith.index_cast %get3A_329 : i32 to index
          %get3A_332 = arith.index_cast %get3A_330 : i32 to index
          %get3A_333 = arith.index_cast %mul3A_203 : i32 to index
          %get3A_334 = tpu.vector_load %arg9[%get3A_331, %get3A_332, %get3A_333] {strides = array<i32>} : memref<2x20x256xf32, #tpu.memory_space<vmem>>, vector<1x1x16xf32>,
          %get3A_335 = vector.shape_cast %get3A_334 : vector<1x1x16xf32> to vector<16xf32>
          %add3A_336 = arith.addf %add3A_324, %get3A_335 : vector<16xf32>
          %mul3A_337 = arith.mulf %get3A_335, %get3A_335 : vector<16xf32>
          %add3A_338 = arith.addf %add3A_326, %mul3A_337 : vector<16xf32>
          %max3A_339 = arith.maximumf %max3A_327, %get3A_335 : vector<16xf32>
          %min3A_340 = arith.minimumf %min3A_328, %get3A_335 : vector<16xf32>
          %get3A_341 = arith.constant 0 : i32
          %get3A_342 = arith.constant 12 : i32
          %get3A_343 = arith.index_cast %get3A_341 : i32 to index
          %get3A_344 = arith.index_cast %get3A_342 : i32 to index
          %get3A_345 = arith.index_cast %mul3A_203 : i32 to index
          %get3A_346 = tpu.vector_load %arg9[%get3A_343, %get3A_344, %get3A_345] {strides = array<i32>} : memref<2x20x256xf32, #tpu.memory_space<vmem>>, vector<1x1x16xf32>,
          %get3A_347 = vector.shape_cast %get3A_346 : vector<1x1x16xf32> to vector<16xf32>
          %add3A_348 = arith.addf %add3A_336, %get3A_347 : vector<16xf32>
          %mul3A_349 = arith.mulf %get3A_347, %get3A_347 : vector<16xf32>
          %add3A_350 = arith.addf %add3A_338, %mul3A_349 : vector<16xf32>
          %max3A_351 = arith.maximumf %max3A_339, %get3A_347 : vector<16xf32>
          %min3A_352 = arith.minimumf %min3A_340, %get3A_347 : vector<16xf32>
          %get3A_353 = arith.constant 0 : i32
          %get3A_354 = arith.constant 13 : i32
          %get3A_355 = arith.index_cast %get3A_353 : i32 to index
          %get3A_356 = arith.index_cast %get3A_354 : i32 to index
          %get3A_357 = arith.index_cast %mul3A_203 : i32 to index
          %get3A_358 = tpu.vector_load %arg9[%get3A_355, %get3A_356, %get3A_357] {strides = array<i32>} : memref<2x20x256xf32, #tpu.memory_space<vmem>>, vector<1x1x16xf32>,
          %get3A_359 = vector.shape_cast %get3A_358 : vector<1x1x16xf32> to vector<16xf32>
          %add3A_360 = arith.addf %add3A_348, %get3A_359 : vector<16xf32>
          %mul3A_361 = arith.mulf %get3A_359, %get3A_359 : vector<16xf32>
          %add3A_362 = arith.addf %add3A_350, %mul3A_361 : vector<16xf32>
          %max3A_363 = arith.maximumf %max3A_351, %get3A_359 : vector<16xf32>
          %min3A_364 = arith.minimumf %min3A_352, %get3A_359 : vector<16xf32>
          %get3A_365 = arith.constant 0 : i32
          %get3A_366 = arith.constant 14 : i32
          %get3A_367 = arith.index_cast %get3A_365 : i32 to index
          %get3A_368 = arith.index_cast %get3A_366 : i32 to index
          %get3A_369 = arith.index_cast %mul3A_203 : i32 to index
          %get3A_370 = tpu.vector_load %arg9[%get3A_367, %get3A_368, %get3A_369] {strides = array<i32>} : memref<2x20x256xf32, #tpu.memory_space<vmem>>, vector<1x1x16xf32>,
          %get3A_371 = vector.shape_cast %get3A_370 : vector<1x1x16xf32> to vector<16xf32>
          %add3A_372 = arith.addf %add3A_360, %get3A_371 : vector<16xf32>
          %mul3A_373 = arith.mulf %get3A_371, %get3A_371 : vector<16xf32>
          %add3A_374 = arith.addf %add3A_362, %mul3A_373 : vector<16xf32>
          %max3A_375 = arith.maximumf %max3A_363, %get3A_371 : vector<16xf32>
          %min3A_376 = arith.minimumf %min3A_364, %get3A_371 : vector<16xf32>
          %get3A_377 = arith.constant 0 : i32
          %get3A_378 = arith.constant 15 : i32
          %get3A_379 = arith.index_cast %get3A_377 : i32 to index
          %get3A_380 = arith.index_cast %get3A_378 : i32 to index
          %get3A_381 = arith.index_cast %mul3A_203 : i32 to index
          %get3A_382 = tpu.vector_load %arg9[%get3A_379, %get3A_380, %get3A_381] {strides = array<i32>} : memref<2x20x256xf32, #tpu.memory_space<vmem>>, vector<1x1x16xf32>,
          %get3A_383 = vector.shape_cast %get3A_382 : vector<1x1x16xf32> to vector<16xf32>
          %add3A_384 = arith.addf %add3A_372, %get3A_383 : vector<16xf32>
          %mul3A_385 = arith.mulf %get3A_383, %get3A_383 : vector<16xf32>
          %add3A_386 = arith.addf %add3A_374, %mul3A_385 : vector<16xf32>
          %max3A_387 = arith.maximumf %max3A_375, %get3A_383 : vector<16xf32>
          %min3A_388 = arith.minimumf %min3A_376, %get3A_383 : vector<16xf32>
          %get3A_389 = arith.constant 0 : i32
          %get3A_390 = arith.constant 16 : i32
          %get3A_391 = arith.index_cast %get3A_389 : i32 to index
          %get3A_392 = arith.index_cast %get3A_390 : i32 to index
          %get3A_393 = arith.index_cast %mul3A_203 : i32 to index
          %get3A_394 = tpu.vector_load %arg9[%get3A_391, %get3A_392, %get3A_393] {strides = array<i32>} : memref<2x20x256xf32, #tpu.memory_space<vmem>>, vector<1x1x16xf32>,
          %get3A_395 = vector.shape_cast %get3A_394 : vector<1x1x16xf32> to vector<16xf32>
          %add3A_396 = arith.addf %add3A_384, %get3A_395 : vector<16xf32>
          %mul3A_397 = arith.mulf %get3A_395, %get3A_395 : vector<16xf32>
          %add3A_398 = arith.addf %add3A_386, %mul3A_397 : vector<16xf32>
          %max3A_399 = arith.maximumf %max3A_387, %get3A_395 : vector<16xf32>
          %min3A_400 = arith.minimumf %min3A_388, %get3A_395 : vector<16xf32>
          %get3A_401 = arith.constant 0 : i32
          %get3A_402 = arith.constant 17 : i32
          %get3A_403 = arith.index_cast %get3A_401 : i32 to index
          %get3A_404 = arith.index_cast %get3A_402 : i32 to index
          %get3A_405 = arith.index_cast %mul3A_203 : i32 to index
          %get3A_406 = tpu.vector_load %arg9[%get3A_403, %get3A_404, %get3A_405] {strides = array<i32>} : memref<2x20x256xf32, #tpu.memory_space<vmem>>, vector<1x1x16xf32>,
          %get3A_407 = vector.shape_cast %get3A_406 : vector<1x1x16xf32> to vector<16xf32>
          %add3A_408 = arith.addf %add3A_396, %get3A_407 : vector<16xf32>
          %mul3A_409 = arith.mulf %get3A_407, %get3A_407 : vector<16xf32>
          %add3A_410 = arith.addf %add3A_398, %mul3A_409 : vector<16xf32>
          %max3A_411 = arith.maximumf %max3A_399, %get3A_407 : vector<16xf32>
          %min3A_412 = arith.minimumf %min3A_400, %get3A_407 : vector<16xf32>
          %get3A_413 = arith.constant 0 : i32
          %get3A_414 = arith.constant 18 : i32
          %get3A_415 = arith.index_cast %get3A_413 : i32 to index
          %get3A_416 = arith.index_cast %get3A_414 : i32 to index
          %get3A_417 = arith.index_cast %mul3A_203 : i32 to index
          %get3A_418 = tpu.vector_load %arg9[%get3A_415, %get3A_416, %get3A_417] {strides = array<i32>} : memref<2x20x256xf32, #tpu.memory_space<vmem>>, vector<1x1x16xf32>,
          %get3A_419 = vector.shape_cast %get3A_418 : vector<1x1x16xf32> to vector<16xf32>
          %add3A_420 = arith.addf %add3A_408, %get3A_419 : vector<16xf32>
          %mul3A_421 = arith.mulf %get3A_419, %get3A_419 : vector<16xf32>
          %add3A_422 = arith.addf %add3A_410, %mul3A_421 : vector<16xf32>
          %max3A_423 = arith.maximumf %max3A_411, %get3A_419 : vector<16xf32>
          %min3A_424 = arith.minimumf %min3A_412, %get3A_419 : vector<16xf32>
          %get3A_425 = arith.constant 0 : i32
          %get3A_426 = arith.constant 19 : i32
          %get3A_427 = arith.index_cast %get3A_425 : i32 to index
          %get3A_428 = arith.index_cast %get3A_426 : i32 to index
          %get3A_429 = arith.index_cast %mul3A_203 : i32 to index
          %get3A_430 = tpu.vector_load %arg9[%get3A_427, %get3A_428, %get3A_429] {strides = array<i32>} : memref<2x20x256xf32, #tpu.memory_space<vmem>>, vector<1x1x16xf32>,
          %get3A_431 = vector.shape_cast %get3A_430 : vector<1x1x16xf32> to vector<16xf32>
          %add3A_432 = arith.addf %add3A_420, %get3A_431 : vector<16xf32>
          %mul3A_433 = arith.mulf %get3A_431, %get3A_431 : vector<16xf32>
          %add3A_434 = arith.addf %add3A_422, %mul3A_433 : vector<16xf32>
          %max3A_435 = arith.maximumf %max3A_423, %get3A_431 : vector<16xf32>
          %min3A_436 = arith.minimumf %min3A_424, %get3A_431 : vector<16xf32>
          %swap3A = arith.constant 0 : i32
          %swap3A_437 = arith.index_cast %swap3A : i32 to index
          %swap3A_438 = arith.index_cast %mul3A_160 : i32 to index
          %swap3A_439 = arith.index_cast %mul3A_203 : i32 to index
          %swap3A_440 = tpu.vector_load %arg10[%swap3A_437, %swap3A_438, %swap3A_439] {strides = array<i32>} : memref<4x32x256xf32, #tpu.memory_space<vmem>>, vector<1x1x16xf32>,
          %swap3A_441 = vector.shape_cast %swap3A_440 : vector<1x1x16xf32> to vector<16xf32>
          %swap3A_442 = vector.shape_cast %add3A_432 : vector<16xf32> to vector<1x1x16xf32>
          tpu.vector_store %arg10[%swap3A_437, %swap3A_438, %swap3A_439], %swap3A_442 {strides = array<i32>} : memref<4x32x256xf32, #tpu.memory_space<vmem>>, vector<1x1x16xf32>,
          %swap3A_443 = arith.constant 1 : i32
          %swap3A_444 = arith.index_cast %swap3A_443 : i32 to index
          %swap3A_445 = arith.index_cast %mul3A_160 : i32 to index
          %swap3A_446 = arith.index_cast %mul3A_203 : i32 to index
          %swap3A_447 = tpu.vector_load %arg10[%swap3A_444, %swap3A_445, %swap3A_446] {strides = array<i32>} : memref<4x32x256xf32, #tpu.memory_space<vmem>>, vector<1x1x16xf32>,
          %swap3A_448 = vector.shape_cast %swap3A_447 : vector<1x1x16xf32> to vector<16xf32>
          %swap3A_449 = vector.shape_cast %add3A_434 : vector<16xf32> to vector<1x1x16xf32>
          tpu.vector_store %arg10[%swap3A_444, %swap3A_445, %swap3A_446], %swap3A_449 {strides = array<i32>} : memref<4x32x256xf32, #tpu.memory_space<vmem>>, vector<1x1x16xf32>,
          %swap3A_450 = arith.constant 2 : i32
          %swap3A_451 = arith.index_cast %swap3A_450 : i32 to index
          %swap3A_452 = arith.index_cast %mul3A_160 : i32 to index
          %swap3A_453 = arith.index_cast %mul3A_203 : i32 to index
          %swap3A_454 = tpu.vector_load %arg10[%swap3A_451, %swap3A_452, %swap3A_453] {strides = array<i32>} : memref<4x32x256xf32, #tpu.memory_space<vmem>>, vector<1x1x16xf32>,
          %swap3A_455 = vector.shape_cast %swap3A_454 : vector<1x1x16xf32> to vector<16xf32>
          %swap3A_456 = vector.shape_cast %max3A_435 : vector<16xf32> to vector<1x1x16xf32>
          tpu.vector_store %arg10[%swap3A_451, %swap3A_452, %swap3A_453], %swap3A_456 {strides = array<i32>} : memref<4x32x256xf32, #tpu.memory_space<vmem>>, vector<1x1x16xf32>,
          %swap3A_457 = arith.constant 3 : i32
          %swap3A_458 = arith.index_cast %swap3A_457 : i32 to index
          %swap3A_459 = arith.index_cast %mul3A_160 : i32 to index
          %swap3A_460 = arith.index_cast %mul3A_203 : i32 to index
          %swap3A_461 = tpu.vector_load %arg10[%swap3A_458, %swap3A_459, %swap3A_460] {strides = array<i32>} : memref<4x32x256xf32, #tpu.memory_space<vmem>>, vector<1x1x16xf32>,
          %swap3A_462 = vector.shape_cast %swap3A_461 : vector<1x1x16xf32> to vector<16xf32>
          %swap3A_463 = vector.shape_cast %min3A_436 : vector<16xf32> to vector<1x1x16xf32>
          tpu.vector_store %arg10[%swap3A_458, %swap3A_459, %swap3A_460], %swap3A_463 {strides = array<i32>} : memref<4x32x256xf32, #tpu.memory_space<vmem>>, vector<1x1x16xf32>,
        }
        %scan3A_166 = arith.constant 16 : i32
        %add3A_167 = arith.constant 2 : i32
        %add3A_168 = arith.addi %add3A_147, %add3A_167 : i32
        %lt3A = arith.constant 512 : i32
        %lt3A_169 = arith.cmpi slt, %add3A_168, %lt3A : i32
        %convert_element_type3A = arith.extui %lt3A_169 : i1 to i32
        %cond3A = arith.constant 0 : i32
        %cond3A_170 = arith.cmpi ne, %convert_element_type3A, %cond3A : i32
        scf.if %cond3A_170 {
          %add3A_201 = arith.constant 2 : i32
          %add3A_202 = arith.addi %add3A_147, %add3A_201 : i32
          %mul3A_203 = arith.constant 24 : i32
          %mul3A_204 = arith.muli %add3A_202, %mul3A_203 : i32
          %dma_start3A_205 = arith.constant 0 : i32
          %dma_start3A_206 = arith.constant 0 : i32
          %dma_start3A_207 = arith.constant 0 : i32
          %dma_start3A_208 = tpu.memref_slice %arg9[%dma_start3A_205, %dma_start3A_206, %dma_start3A_207] : memref<2x20x256xf32, #tpu.memory_space<vmem>> -> memref<1x20x256xf32, #tpu.memory_space<vmem>>
          %dma_start3A_209 = tpu.memref_squeeze %dma_start3A_208 : memref<1x20x256xf32, #tpu.memory_space<vmem>> -> memref<20x256xf32, #tpu.memory_space<vmem>>
          %dma_start3A_210 = tpu.memref_slice %arg8[%mul3A_204] : memref<12288xi32, #tpu.memory_space<vmem>> -> memref<20xi32, #tpu.memory_space<vmem>>
          %dma_start3A_211 = arith.constant 0 : i32
          %dma_start3A_212 = arith.constant 0 : i32
          %dma_start3A_213 = tpu.memref_slice %arg2[%dma_start3A_211, %dma_start3A_212] : memref<16384x256xf32, #tpu.memory_space<hbm>> -> memref<16384x256xf32, #tpu.memory_space<hbm>>
          tpu.enqueue_indirect_dma source(%dma_start3A_213 : memref<16384x256xf32, #tpu.memory_space<hbm>>) target(%dma_start3A_209 : memref<20x256xf32, #tpu.memory_space<vmem>>) offsets(%dma_start3A_210 : memref<20xi32, #tpu.memory_space<vmem>>) semaphore(%arg11 : memref<!tpu.dma_semaphore, #tpu.memory_space<semaphore_mem>>)
        } else {
        }
        %add3A_171 = arith.constant 1 : i32
        %add3A_172 = arith.addi %add3A_147, %add3A_171 : i32
        %mul3A_173 = arith.constant 24 : i32
        %mul3A_174 = arith.muli %add3A_172, %mul3A_173 : i32
        %dma_wait3A_175 = arith.constant 1 : i32
        %dma_wait3A_176 = arith.constant 0 : i32
        %dma_wait3A_177 = arith.constant 0 : i32
        %dma_wait3A_178 = tpu.memref_slice %arg9[%dma_wait3A_175, %dma_wait3A_176, %dma_wait3A_177] : memref<2x20x256xf32, #tpu.memory_space<vmem>> -> memref<1x20x256xf32, #tpu.memory_space<vmem>>
        %dma_wait3A_179 = tpu.memref_squeeze %dma_wait3A_178 : memref<1x20x256xf32, #tpu.memory_space<vmem>> -> memref<20x256xf32, #tpu.memory_space<vmem>>
        %dma_wait3A_180 = tpu.memref_slice %arg8[%mul3A_174] : memref<12288xi32, #tpu.memory_space<vmem>> -> memref<20xi32, #tpu.memory_space<vmem>>
        %dma_wait3A_181 = arith.constant 0 : i32
        %dma_wait3A_182 = arith.constant 0 : i32
        %dma_wait3A_183 = tpu.memref_slice %arg2[%dma_wait3A_181, %dma_wait3A_182] : memref<16384x256xf32, #tpu.memory_space<hbm>> -> memref<16384x256xf32, #tpu.memory_space<hbm>>
        tpu.wait_indirect_dma semaphore(%arg12 : memref<!tpu.dma_semaphore, #tpu.memory_space<semaphore_mem>>) src(%dma_wait3A_183 : memref<16384x256xf32, #tpu.memory_space<hbm>>) dst(%dma_wait3A_179 : memref<20x256xf32, #tpu.memory_space<vmem>>)
        %mul3A_184 = arith.constant 2 : i32
        %mul3A_185 = arith.muli %mul3A_184, %scan3A_142 : i32
        %add3A_186 = arith.constant 1 : i32
        %add3A_187 = arith.addi %mul3A_185, %add3A_186 : i32
        %scan3A_188 = arith.constant 0 : i32
        %scan3A_189 = arith.constant 0 : i32
        %scan3A_190 = arith.constant 16 : i32
        %scan3A_191 = arith.addi %scan3A_189, %scan3A_190 : i32
        %scan3A_192 = arith.constant 1 : i32
        scf.for %scan3A_201 = %scan3A_189 to %scan3A_191 step %scan3A_192  : i32 {
          %mul3A_202 = arith.constant 16 : i32
          %mul3A_203 = arith.muli %scan3A_201, %mul3A_202 : i32
          %get3A = arith.constant 1 : i32
          %get3A_204 = arith.constant 0 : i32
          %get3A_205 = arith.index_cast %get3A : i32 to index
          %get3A_206 = arith.index_cast %get3A_204 : i32 to index
          %get3A_207 = arith.index_cast %mul3A_203 : i32 to index
          %get3A_208 = tpu.vector_load %arg9[%get3A_205, %get3A_206, %get3A_207] {strides = array<i32>} : memref<2x20x256xf32, #tpu.memory_space<vmem>>, vector<1x1x16xf32>,
          %get3A_209 = vector.shape_cast %get3A_208 : vector<1x1x16xf32> to vector<16xf32>
          %mul3A_210 = arith.mulf %get3A_209, %get3A_209 : vector<16xf32>
          %get3A_211 = arith.constant 1 : i32
          %get3A_212 = arith.constant 1 : i32
          %get3A_213 = arith.index_cast %get3A_211 : i32 to index
          %get3A_214 = arith.index_cast %get3A_212 : i32 to index
          %get3A_215 = arith.index_cast %mul3A_203 : i32 to index
          %get3A_216 = tpu.vector_load %arg9[%get3A_213, %get3A_214, %get3A_215] {strides = array<i32>} : memref<2x20x256xf32, #tpu.memory_space<vmem>>, vector<1x1x16xf32>,
          %get3A_217 = vector.shape_cast %get3A_216 : vector<1x1x16xf32> to vector<16xf32>
          %add3A_218 = arith.addf %get3A_209, %get3A_217 : vector<16xf32>
          %mul3A_219 = arith.mulf %get3A_217, %get3A_217 : vector<16xf32>
          %add3A_220 = arith.addf %mul3A_210, %mul3A_219 : vector<16xf32>
          %max3A = arith.maximumf %get3A_209, %get3A_217 : vector<16xf32>
          %min3A = arith.minimumf %get3A_209, %get3A_217 : vector<16xf32>
          %get3A_221 = arith.constant 1 : i32
          %get3A_222 = arith.constant 2 : i32
          %get3A_223 = arith.index_cast %get3A_221 : i32 to index
          %get3A_224 = arith.index_cast %get3A_222 : i32 to index
          %get3A_225 = arith.index_cast %mul3A_203 : i32 to index
          %get3A_226 = tpu.vector_load %arg9[%get3A_223, %get3A_224, %get3A_225] {strides = array<i32>} : memref<2x20x256xf32, #tpu.memory_space<vmem>>, vector<1x1x16xf32>,
          %get3A_227 = vector.shape_cast %get3A_226 : vector<1x1x16xf32> to vector<16xf32>
          %add3A_228 = arith.addf %add3A_218, %get3A_227 : vector<16xf32>
          %mul3A_229 = arith.mulf %get3A_227, %get3A_227 : vector<16xf32>
          %add3A_230 = arith.addf %add3A_220, %mul3A_229 : vector<16xf32>
          %max3A_231 = arith.maximumf %max3A, %get3A_227 : vector<16xf32>
          %min3A_232 = arith.minimumf %min3A, %get3A_227 : vector<16xf32>
          %get3A_233 = arith.constant 1 : i32
          %get3A_234 = arith.constant 3 : i32
          %get3A_235 = arith.index_cast %get3A_233 : i32 to index
          %get3A_236 = arith.index_cast %get3A_234 : i32 to index
          %get3A_237 = arith.index_cast %mul3A_203 : i32 to index
          %get3A_238 = tpu.vector_load %arg9[%get3A_235, %get3A_236, %get3A_237] {strides = array<i32>} : memref<2x20x256xf32, #tpu.memory_space<vmem>>, vector<1x1x16xf32>,
          %get3A_239 = vector.shape_cast %get3A_238 : vector<1x1x16xf32> to vector<16xf32>
          %add3A_240 = arith.addf %add3A_228, %get3A_239 : vector<16xf32>
          %mul3A_241 = arith.mulf %get3A_239, %get3A_239 : vector<16xf32>
          %add3A_242 = arith.addf %add3A_230, %mul3A_241 : vector<16xf32>
          %max3A_243 = arith.maximumf %max3A_231, %get3A_239 : vector<16xf32>
          %min3A_244 = arith.minimumf %min3A_232, %get3A_239 : vector<16xf32>
          %get3A_245 = arith.constant 1 : i32
          %get3A_246 = arith.constant 4 : i32
          %get3A_247 = arith.index_cast %get3A_245 : i32 to index
          %get3A_248 = arith.index_cast %get3A_246 : i32 to index
          %get3A_249 = arith.index_cast %mul3A_203 : i32 to index
          %get3A_250 = tpu.vector_load %arg9[%get3A_247, %get3A_248, %get3A_249] {strides = array<i32>} : memref<2x20x256xf32, #tpu.memory_space<vmem>>, vector<1x1x16xf32>,
          %get3A_251 = vector.shape_cast %get3A_250 : vector<1x1x16xf32> to vector<16xf32>
          %add3A_252 = arith.addf %add3A_240, %get3A_251 : vector<16xf32>
          %mul3A_253 = arith.mulf %get3A_251, %get3A_251 : vector<16xf32>
          %add3A_254 = arith.addf %add3A_242, %mul3A_253 : vector<16xf32>
          %max3A_255 = arith.maximumf %max3A_243, %get3A_251 : vector<16xf32>
          %min3A_256 = arith.minimumf %min3A_244, %get3A_251 : vector<16xf32>
          %get3A_257 = arith.constant 1 : i32
          %get3A_258 = arith.constant 5 : i32
          %get3A_259 = arith.index_cast %get3A_257 : i32 to index
          %get3A_260 = arith.index_cast %get3A_258 : i32 to index
          %get3A_261 = arith.index_cast %mul3A_203 : i32 to index
          %get3A_262 = tpu.vector_load %arg9[%get3A_259, %get3A_260, %get3A_261] {strides = array<i32>} : memref<2x20x256xf32, #tpu.memory_space<vmem>>, vector<1x1x16xf32>,
          %get3A_263 = vector.shape_cast %get3A_262 : vector<1x1x16xf32> to vector<16xf32>
          %add3A_264 = arith.addf %add3A_252, %get3A_263 : vector<16xf32>
          %mul3A_265 = arith.mulf %get3A_263, %get3A_263 : vector<16xf32>
          %add3A_266 = arith.addf %add3A_254, %mul3A_265 : vector<16xf32>
          %max3A_267 = arith.maximumf %max3A_255, %get3A_263 : vector<16xf32>
          %min3A_268 = arith.minimumf %min3A_256, %get3A_263 : vector<16xf32>
          %get3A_269 = arith.constant 1 : i32
          %get3A_270 = arith.constant 6 : i32
          %get3A_271 = arith.index_cast %get3A_269 : i32 to index
          %get3A_272 = arith.index_cast %get3A_270 : i32 to index
          %get3A_273 = arith.index_cast %mul3A_203 : i32 to index
          %get3A_274 = tpu.vector_load %arg9[%get3A_271, %get3A_272, %get3A_273] {strides = array<i32>} : memref<2x20x256xf32, #tpu.memory_space<vmem>>, vector<1x1x16xf32>,
          %get3A_275 = vector.shape_cast %get3A_274 : vector<1x1x16xf32> to vector<16xf32>
          %add3A_276 = arith.addf %add3A_264, %get3A_275 : vector<16xf32>
          %mul3A_277 = arith.mulf %get3A_275, %get3A_275 : vector<16xf32>
          %add3A_278 = arith.addf %add3A_266, %mul3A_277 : vector<16xf32>
          %max3A_279 = arith.maximumf %max3A_267, %get3A_275 : vector<16xf32>
          %min3A_280 = arith.minimumf %min3A_268, %get3A_275 : vector<16xf32>
          %get3A_281 = arith.constant 1 : i32
          %get3A_282 = arith.constant 7 : i32
          %get3A_283 = arith.index_cast %get3A_281 : i32 to index
          %get3A_284 = arith.index_cast %get3A_282 : i32 to index
          %get3A_285 = arith.index_cast %mul3A_203 : i32 to index
          %get3A_286 = tpu.vector_load %arg9[%get3A_283, %get3A_284, %get3A_285] {strides = array<i32>} : memref<2x20x256xf32, #tpu.memory_space<vmem>>, vector<1x1x16xf32>,
          %get3A_287 = vector.shape_cast %get3A_286 : vector<1x1x16xf32> to vector<16xf32>
          %add3A_288 = arith.addf %add3A_276, %get3A_287 : vector<16xf32>
          %mul3A_289 = arith.mulf %get3A_287, %get3A_287 : vector<16xf32>
          %add3A_290 = arith.addf %add3A_278, %mul3A_289 : vector<16xf32>
          %max3A_291 = arith.maximumf %max3A_279, %get3A_287 : vector<16xf32>
          %min3A_292 = arith.minimumf %min3A_280, %get3A_287 : vector<16xf32>
          %get3A_293 = arith.constant 1 : i32
          %get3A_294 = arith.constant 8 : i32
          %get3A_295 = arith.index_cast %get3A_293 : i32 to index
          %get3A_296 = arith.index_cast %get3A_294 : i32 to index
          %get3A_297 = arith.index_cast %mul3A_203 : i32 to index
          %get3A_298 = tpu.vector_load %arg9[%get3A_295, %get3A_296, %get3A_297] {strides = array<i32>} : memref<2x20x256xf32, #tpu.memory_space<vmem>>, vector<1x1x16xf32>,
          %get3A_299 = vector.shape_cast %get3A_298 : vector<1x1x16xf32> to vector<16xf32>
          %add3A_300 = arith.addf %add3A_288, %get3A_299 : vector<16xf32>
          %mul3A_301 = arith.mulf %get3A_299, %get3A_299 : vector<16xf32>
          %add3A_302 = arith.addf %add3A_290, %mul3A_301 : vector<16xf32>
          %max3A_303 = arith.maximumf %max3A_291, %get3A_299 : vector<16xf32>
          %min3A_304 = arith.minimumf %min3A_292, %get3A_299 : vector<16xf32>
          %get3A_305 = arith.constant 1 : i32
          %get3A_306 = arith.constant 9 : i32
          %get3A_307 = arith.index_cast %get3A_305 : i32 to index
          %get3A_308 = arith.index_cast %get3A_306 : i32 to index
          %get3A_309 = arith.index_cast %mul3A_203 : i32 to index
          %get3A_310 = tpu.vector_load %arg9[%get3A_307, %get3A_308, %get3A_309] {strides = array<i32>} : memref<2x20x256xf32, #tpu.memory_space<vmem>>, vector<1x1x16xf32>,
          %get3A_311 = vector.shape_cast %get3A_310 : vector<1x1x16xf32> to vector<16xf32>
          %add3A_312 = arith.addf %add3A_300, %get3A_311 : vector<16xf32>
          %mul3A_313 = arith.mulf %get3A_311, %get3A_311 : vector<16xf32>
          %add3A_314 = arith.addf %add3A_302, %mul3A_313 : vector<16xf32>
          %max3A_315 = arith.maximumf %max3A_303, %get3A_311 : vector<16xf32>
          %min3A_316 = arith.minimumf %min3A_304, %get3A_311 : vector<16xf32>
          %get3A_317 = arith.constant 1 : i32
          %get3A_318 = arith.constant 10 : i32
          %get3A_319 = arith.index_cast %get3A_317 : i32 to index
          %get3A_320 = arith.index_cast %get3A_318 : i32 to index
          %get3A_321 = arith.index_cast %mul3A_203 : i32 to index
          %get3A_322 = tpu.vector_load %arg9[%get3A_319, %get3A_320, %get3A_321] {strides = array<i32>} : memref<2x20x256xf32, #tpu.memory_space<vmem>>, vector<1x1x16xf32>,
          %get3A_323 = vector.shape_cast %get3A_322 : vector<1x1x16xf32> to vector<16xf32>
          %add3A_324 = arith.addf %add3A_312, %get3A_323 : vector<16xf32>
          %mul3A_325 = arith.mulf %get3A_323, %get3A_323 : vector<16xf32>
          %add3A_326 = arith.addf %add3A_314, %mul3A_325 : vector<16xf32>
          %max3A_327 = arith.maximumf %max3A_315, %get3A_323 : vector<16xf32>
          %min3A_328 = arith.minimumf %min3A_316, %get3A_323 : vector<16xf32>
          %get3A_329 = arith.constant 1 : i32
          %get3A_330 = arith.constant 11 : i32
          %get3A_331 = arith.index_cast %get3A_329 : i32 to index
          %get3A_332 = arith.index_cast %get3A_330 : i32 to index
          %get3A_333 = arith.index_cast %mul3A_203 : i32 to index
          %get3A_334 = tpu.vector_load %arg9[%get3A_331, %get3A_332, %get3A_333] {strides = array<i32>} : memref<2x20x256xf32, #tpu.memory_space<vmem>>, vector<1x1x16xf32>,
          %get3A_335 = vector.shape_cast %get3A_334 : vector<1x1x16xf32> to vector<16xf32>
          %add3A_336 = arith.addf %add3A_324, %get3A_335 : vector<16xf32>
          %mul3A_337 = arith.mulf %get3A_335, %get3A_335 : vector<16xf32>
          %add3A_338 = arith.addf %add3A_326, %mul3A_337 : vector<16xf32>
          %max3A_339 = arith.maximumf %max3A_327, %get3A_335 : vector<16xf32>
          %min3A_340 = arith.minimumf %min3A_328, %get3A_335 : vector<16xf32>
          %get3A_341 = arith.constant 1 : i32
          %get3A_342 = arith.constant 12 : i32
          %get3A_343 = arith.index_cast %get3A_341 : i32 to index
          %get3A_344 = arith.index_cast %get3A_342 : i32 to index
          %get3A_345 = arith.index_cast %mul3A_203 : i32 to index
          %get3A_346 = tpu.vector_load %arg9[%get3A_343, %get3A_344, %get3A_345] {strides = array<i32>} : memref<2x20x256xf32, #tpu.memory_space<vmem>>, vector<1x1x16xf32>,
          %get3A_347 = vector.shape_cast %get3A_346 : vector<1x1x16xf32> to vector<16xf32>
          %add3A_348 = arith.addf %add3A_336, %get3A_347 : vector<16xf32>
          %mul3A_349 = arith.mulf %get3A_347, %get3A_347 : vector<16xf32>
          %add3A_350 = arith.addf %add3A_338, %mul3A_349 : vector<16xf32>
          %max3A_351 = arith.maximumf %max3A_339, %get3A_347 : vector<16xf32>
          %min3A_352 = arith.minimumf %min3A_340, %get3A_347 : vector<16xf32>
          %get3A_353 = arith.constant 1 : i32
          %get3A_354 = arith.constant 13 : i32
          %get3A_355 = arith.index_cast %get3A_353 : i32 to index
          %get3A_356 = arith.index_cast %get3A_354 : i32 to index
          %get3A_357 = arith.index_cast %mul3A_203 : i32 to index
          %get3A_358 = tpu.vector_load %arg9[%get3A_355, %get3A_356, %get3A_357] {strides = array<i32>} : memref<2x20x256xf32, #tpu.memory_space<vmem>>, vector<1x1x16xf32>,
          %get3A_359 = vector.shape_cast %get3A_358 : vector<1x1x16xf32> to vector<16xf32>
          %add3A_360 = arith.addf %add3A_348, %get3A_359 : vector<16xf32>
          %mul3A_361 = arith.mulf %get3A_359, %get3A_359 : vector<16xf32>
          %add3A_362 = arith.addf %add3A_350, %mul3A_361 : vector<16xf32>
          %max3A_363 = arith.maximumf %max3A_351, %get3A_359 : vector<16xf32>
          %min3A_364 = arith.minimumf %min3A_352, %get3A_359 : vector<16xf32>
          %get3A_365 = arith.constant 1 : i32
          %get3A_366 = arith.constant 14 : i32
          %get3A_367 = arith.index_cast %get3A_365 : i32 to index
          %get3A_368 = arith.index_cast %get3A_366 : i32 to index
          %get3A_369 = arith.index_cast %mul3A_203 : i32 to index
          %get3A_370 = tpu.vector_load %arg9[%get3A_367, %get3A_368, %get3A_369] {strides = array<i32>} : memref<2x20x256xf32, #tpu.memory_space<vmem>>, vector<1x1x16xf32>,
          %get3A_371 = vector.shape_cast %get3A_370 : vector<1x1x16xf32> to vector<16xf32>
          %add3A_372 = arith.addf %add3A_360, %get3A_371 : vector<16xf32>
          %mul3A_373 = arith.mulf %get3A_371, %get3A_371 : vector<16xf32>
          %add3A_374 = arith.addf %add3A_362, %mul3A_373 : vector<16xf32>
          %max3A_375 = arith.maximumf %max3A_363, %get3A_371 : vector<16xf32>
          %min3A_376 = arith.minimumf %min3A_364, %get3A_371 : vector<16xf32>
          %get3A_377 = arith.constant 1 : i32
          %get3A_378 = arith.constant 15 : i32
          %get3A_379 = arith.index_cast %get3A_377 : i32 to index
          %get3A_380 = arith.index_cast %get3A_378 : i32 to index
          %get3A_381 = arith.index_cast %mul3A_203 : i32 to index
          %get3A_382 = tpu.vector_load %arg9[%get3A_379, %get3A_380, %get3A_381] {strides = array<i32>} : memref<2x20x256xf32, #tpu.memory_space<vmem>>, vector<1x1x16xf32>,
          %get3A_383 = vector.shape_cast %get3A_382 : vector<1x1x16xf32> to vector<16xf32>
          %add3A_384 = arith.addf %add3A_372, %get3A_383 : vector<16xf32>
          %mul3A_385 = arith.mulf %get3A_383, %get3A_383 : vector<16xf32>
          %add3A_386 = arith.addf %add3A_374, %mul3A_385 : vector<16xf32>
          %max3A_387 = arith.maximumf %max3A_375, %get3A_383 : vector<16xf32>
          %min3A_388 = arith.minimumf %min3A_376, %get3A_383 : vector<16xf32>
          %get3A_389 = arith.constant 1 : i32
          %get3A_390 = arith.constant 16 : i32
          %get3A_391 = arith.index_cast %get3A_389 : i32 to index
          %get3A_392 = arith.index_cast %get3A_390 : i32 to index
          %get3A_393 = arith.index_cast %mul3A_203 : i32 to index
          %get3A_394 = tpu.vector_load %arg9[%get3A_391, %get3A_392, %get3A_393] {strides = array<i32>} : memref<2x20x256xf32, #tpu.memory_space<vmem>>, vector<1x1x16xf32>,
          %get3A_395 = vector.shape_cast %get3A_394 : vector<1x1x16xf32> to vector<16xf32>
          %add3A_396 = arith.addf %add3A_384, %get3A_395 : vector<16xf32>
          %mul3A_397 = arith.mulf %get3A_395, %get3A_395 : vector<16xf32>
          %add3A_398 = arith.addf %add3A_386, %mul3A_397 : vector<16xf32>
          %max3A_399 = arith.maximumf %max3A_387, %get3A_395 : vector<16xf32>
          %min3A_400 = arith.minimumf %min3A_388, %get3A_395 : vector<16xf32>
          %get3A_401 = arith.constant 1 : i32
          %get3A_402 = arith.constant 17 : i32
          %get3A_403 = arith.index_cast %get3A_401 : i32 to index
          %get3A_404 = arith.index_cast %get3A_402 : i32 to index
          %get3A_405 = arith.index_cast %mul3A_203 : i32 to index
          %get3A_406 = tpu.vector_load %arg9[%get3A_403, %get3A_404, %get3A_405] {strides = array<i32>} : memref<2x20x256xf32, #tpu.memory_space<vmem>>, vector<1x1x16xf32>,
          %get3A_407 = vector.shape_cast %get3A_406 : vector<1x1x16xf32> to vector<16xf32>
          %add3A_408 = arith.addf %add3A_396, %get3A_407 : vector<16xf32>
          %mul3A_409 = arith.mulf %get3A_407, %get3A_407 : vector<16xf32>
          %add3A_410 = arith.addf %add3A_398, %mul3A_409 : vector<16xf32>
          %max3A_411 = arith.maximumf %max3A_399, %get3A_407 : vector<16xf32>
          %min3A_412 = arith.minimumf %min3A_400, %get3A_407 : vector<16xf32>
          %get3A_413 = arith.constant 1 : i32
          %get3A_414 = arith.constant 18 : i32
          %get3A_415 = arith.index_cast %get3A_413 : i32 to index
          %get3A_416 = arith.index_cast %get3A_414 : i32 to index
          %get3A_417 = arith.index_cast %mul3A_203 : i32 to index
          %get3A_418 = tpu.vector_load %arg9[%get3A_415, %get3A_416, %get3A_417] {strides = array<i32>} : memref<2x20x256xf32, #tpu.memory_space<vmem>>, vector<1x1x16xf32>,
          %get3A_419 = vector.shape_cast %get3A_418 : vector<1x1x16xf32> to vector<16xf32>
          %add3A_420 = arith.addf %add3A_408, %get3A_419 : vector<16xf32>
          %mul3A_421 = arith.mulf %get3A_419, %get3A_419 : vector<16xf32>
          %add3A_422 = arith.addf %add3A_410, %mul3A_421 : vector<16xf32>
          %max3A_423 = arith.maximumf %max3A_411, %get3A_419 : vector<16xf32>
          %min3A_424 = arith.minimumf %min3A_412, %get3A_419 : vector<16xf32>
          %get3A_425 = arith.constant 1 : i32
          %get3A_426 = arith.constant 19 : i32
          %get3A_427 = arith.index_cast %get3A_425 : i32 to index
          %get3A_428 = arith.index_cast %get3A_426 : i32 to index
          %get3A_429 = arith.index_cast %mul3A_203 : i32 to index
          %get3A_430 = tpu.vector_load %arg9[%get3A_427, %get3A_428, %get3A_429] {strides = array<i32>} : memref<2x20x256xf32, #tpu.memory_space<vmem>>, vector<1x1x16xf32>,
          %get3A_431 = vector.shape_cast %get3A_430 : vector<1x1x16xf32> to vector<16xf32>
          %add3A_432 = arith.addf %add3A_420, %get3A_431 : vector<16xf32>
          %mul3A_433 = arith.mulf %get3A_431, %get3A_431 : vector<16xf32>
          %add3A_434 = arith.addf %add3A_422, %mul3A_433 : vector<16xf32>
          %max3A_435 = arith.maximumf %max3A_423, %get3A_431 : vector<16xf32>
          %min3A_436 = arith.minimumf %min3A_424, %get3A_431 : vector<16xf32>
          %swap3A = arith.constant 0 : i32
          %swap3A_437 = arith.index_cast %swap3A : i32 to index
          %swap3A_438 = arith.index_cast %add3A_187 : i32 to index
          %swap3A_439 = arith.index_cast %mul3A_203 : i32 to index
          %swap3A_440 = tpu.vector_load %arg10[%swap3A_437, %swap3A_438, %swap3A_439] {strides = array<i32>} : memref<4x32x256xf32, #tpu.memory_space<vmem>>, vector<1x1x16xf32>,
          %swap3A_441 = vector.shape_cast %swap3A_440 : vector<1x1x16xf32> to vector<16xf32>
          %swap3A_442 = vector.shape_cast %add3A_432 : vector<16xf32> to vector<1x1x16xf32>
          tpu.vector_store %arg10[%swap3A_437, %swap3A_438, %swap3A_439], %swap3A_442 {strides = array<i32>} : memref<4x32x256xf32, #tpu.memory_space<vmem>>, vector<1x1x16xf32>,
          %swap3A_443 = arith.constant 1 : i32
          %swap3A_444 = arith.index_cast %swap3A_443 : i32 to index
          %swap3A_445 = arith.index_cast %add3A_187 : i32 to index
          %swap3A_446 = arith.index_cast %mul3A_203 : i32 to index
          %swap3A_447 = tpu.vector_load %arg10[%swap3A_444, %swap3A_445, %swap3A_446] {strides = array<i32>} : memref<4x32x256xf32, #tpu.memory_space<vmem>>, vector<1x1x16xf32>,
          %swap3A_448 = vector.shape_cast %swap3A_447 : vector<1x1x16xf32> to vector<16xf32>
          %swap3A_449 = vector.shape_cast %add3A_434 : vector<16xf32> to vector<1x1x16xf32>
          tpu.vector_store %arg10[%swap3A_444, %swap3A_445, %swap3A_446], %swap3A_449 {strides = array<i32>} : memref<4x32x256xf32, #tpu.memory_space<vmem>>, vector<1x1x16xf32>,
          %swap3A_450 = arith.constant 2 : i32
          %swap3A_451 = arith.index_cast %swap3A_450 : i32 to index
          %swap3A_452 = arith.index_cast %add3A_187 : i32 to index
          %swap3A_453 = arith.index_cast %mul3A_203 : i32 to index
          %swap3A_454 = tpu.vector_load %arg10[%swap3A_451, %swap3A_452, %swap3A_453] {strides = array<i32>} : memref<4x32x256xf32, #tpu.memory_space<vmem>>, vector<1x1x16xf32>,
          %swap3A_455 = vector.shape_cast %swap3A_454 : vector<1x1x16xf32> to vector<16xf32>
          %swap3A_456 = vector.shape_cast %max3A_435 : vector<16xf32> to vector<1x1x16xf32>
          tpu.vector_store %arg10[%swap3A_451, %swap3A_452, %swap3A_453], %swap3A_456 {strides = array<i32>} : memref<4x32x256xf32, #tpu.memory_space<vmem>>, vector<1x1x16xf32>,
          %swap3A_457 = arith.constant 3 : i32
          %swap3A_458 = arith.index_cast %swap3A_457 : i32 to index
          %swap3A_459 = arith.index_cast %add3A_187 : i32 to index
          %swap3A_460 = arith.index_cast %mul3A_203 : i32 to index
          %swap3A_461 = tpu.vector_load %arg10[%swap3A_458, %swap3A_459, %swap3A_460] {strides = array<i32>} : memref<4x32x256xf32, #tpu.memory_space<vmem>>, vector<1x1x16xf32>,
          %swap3A_462 = vector.shape_cast %swap3A_461 : vector<1x1x16xf32> to vector<16xf32>
          %swap3A_463 = vector.shape_cast %min3A_436 : vector<16xf32> to vector<1x1x16xf32>
          tpu.vector_store %arg10[%swap3A_458, %swap3A_459, %swap3A_460], %swap3A_463 {strides = array<i32>} : memref<4x32x256xf32, #tpu.memory_space<vmem>>, vector<1x1x16xf32>,
        }
        %scan3A_193 = arith.constant 16 : i32
        %add3A_194 = arith.constant 3 : i32
        %add3A_195 = arith.addi %add3A_147, %add3A_194 : i32
        %lt3A_196 = arith.constant 512 : i32
        %lt3A_197 = arith.cmpi slt, %add3A_195, %lt3A_196 : i32
        %convert_element_type3A_198 = arith.extui %lt3A_197 : i1 to i32
        %cond3A_199 = arith.constant 0 : i32
        %cond3A_200 = arith.cmpi ne, %convert_element_type3A_198, %cond3A_199 : i32
        scf.if %cond3A_200 {
          %add3A_201 = arith.constant 3 : i32
          %add3A_202 = arith.addi %add3A_147, %add3A_201 : i32
          %mul3A_203 = arith.constant 24 : i32
          %mul3A_204 = arith.muli %add3A_202, %mul3A_203 : i32
          %dma_start3A_205 = arith.constant 1 : i32
          %dma_start3A_206 = arith.constant 0 : i32
          %dma_start3A_207 = arith.constant 0 : i32
          %dma_start3A_208 = tpu.memref_slice %arg9[%dma_start3A_205, %dma_start3A_206, %dma_start3A_207] : memref<2x20x256xf32, #tpu.memory_space<vmem>> -> memref<1x20x256xf32, #tpu.memory_space<vmem>>
          %dma_start3A_209 = tpu.memref_squeeze %dma_start3A_208 : memref<1x20x256xf32, #tpu.memory_space<vmem>> -> memref<20x256xf32, #tpu.memory_space<vmem>>
          %dma_start3A_210 = tpu.memref_slice %arg8[%mul3A_204] : memref<12288xi32, #tpu.memory_space<vmem>> -> memref<20xi32, #tpu.memory_space<vmem>>
          %dma_start3A_211 = arith.constant 0 : i32
          %dma_start3A_212 = arith.constant 0 : i32
          %dma_start3A_213 = tpu.memref_slice %arg2[%dma_start3A_211, %dma_start3A_212] : memref<16384x256xf32, #tpu.memory_space<hbm>> -> memref<16384x256xf32, #tpu.memory_space<hbm>>
          tpu.enqueue_indirect_dma source(%dma_start3A_213 : memref<16384x256xf32, #tpu.memory_space<hbm>>) target(%dma_start3A_209 : memref<20x256xf32, #tpu.memory_space<vmem>>) offsets(%dma_start3A_210 : memref<20xi32, #tpu.memory_space<vmem>>) semaphore(%arg12 : memref<!tpu.dma_semaphore, #tpu.memory_space<semaphore_mem>>)
        } else {
        }
      }
      %scan3A_35 = arith.constant 16 : i32
      %mul3A_36 = arith.constant 32 : i32
      %mul3A_37 = arith.muli %scan3A_29, %mul3A_36 : i32
      %add3A_38 = arith.addi %mul3A_2, %mul3A_37 : i32
      %dma_start3A_39 = arith.constant 0 : i32
      %dma_start3A_40 = arith.constant 0 : i32
      %dma_start3A_41 = arith.constant 0 : i32
      %dma_start3A_42 = tpu.memref_slice %arg10[%dma_start3A_39, %dma_start3A_40, %dma_start3A_41] : memref<4x32x256xf32, #tpu.memory_space<vmem>> -> memref<1x32x256xf32, #tpu.memory_space<vmem>>
      %dma_start3A_43 = tpu.memref_squeeze %dma_start3A_42 : memref<1x32x256xf32, #tpu.memory_space<vmem>> -> memref<32x256xf32, #tpu.memory_space<vmem>>
      %dma_start3A_44 = arith.constant 0 : i32
      %dma_start3A_45 = tpu.memref_slice %arg4[%add3A_38, %dma_start3A_44] : memref<16384x256xf32, #tpu.memory_space<hbm>> -> memref<32x256xf32, #tpu.memory_space<hbm>>
      %dma_start3A_46 = arith.constant 0 : i32
      %dma_start3A_47 = tpu.memref_slice %arg4[%add3A_38, %dma_start3A_46] : memref<16384x256xf32, #tpu.memory_space<hbm>> -> memref<32x256xf32, #tpu.memory_space<hbm>>
      %dma_start3A_48 = arith.constant 0 : i32
      %dma_start3A_49 = arith.constant 0 : i32
      %dma_start3A_50 = tpu.memref_slice %arg10[%dma_start3A_39, %dma_start3A_48, %dma_start3A_49] : memref<4x32x256xf32, #tpu.memory_space<vmem>> -> memref<1x32x256xf32, #tpu.memory_space<vmem>>
      %dma_start3A_51 = tpu.memref_squeeze %dma_start3A_50 : memref<1x32x256xf32, #tpu.memory_space<vmem>> -> memref<32x256xf32, #tpu.memory_space<vmem>>
      tpu.enqueue_dma source(%dma_start3A_51 : memref<32x256xf32, #tpu.memory_space<vmem>>) target(%dma_start3A_47 : memref<32x256xf32, #tpu.memory_space<hbm>>) target_semaphore(%arg13 : memref<!tpu.dma_semaphore, #tpu.memory_space<semaphore_mem>>)
      %dma_start3A_52 = arith.constant 1 : i32
      %dma_start3A_53 = arith.constant 0 : i32
      %dma_start3A_54 = arith.constant 0 : i32
      %dma_start3A_55 = tpu.memref_slice %arg10[%dma_start3A_52, %dma_start3A_53, %dma_start3A_54] : memref<4x32x256xf32, #tpu.memory_space<vmem>> -> memref<1x32x256xf32, #tpu.memory_space<vmem>>
      %dma_start3A_56 = tpu.memref_squeeze %dma_start3A_55 : memref<1x32x256xf32, #tpu.memory_space<vmem>> -> memref<32x256xf32, #tpu.memory_space<vmem>>
      %dma_start3A_57 = arith.constant 0 : i32
      %dma_start3A_58 = tpu.memref_slice %arg5[%add3A_38, %dma_start3A_57] : memref<16384x256xf32, #tpu.memory_space<hbm>> -> memref<32x256xf32, #tpu.memory_space<hbm>>
      %dma_start3A_59 = arith.constant 0 : i32
      %dma_start3A_60 = tpu.memref_slice %arg5[%add3A_38, %dma_start3A_59] : memref<16384x256xf32, #tpu.memory_space<hbm>> -> memref<32x256xf32, #tpu.memory_space<hbm>>
      %dma_start3A_61 = arith.constant 0 : i32
      %dma_start3A_62 = arith.constant 0 : i32
      %dma_start3A_63 = tpu.memref_slice %arg10[%dma_start3A_52, %dma_start3A_61, %dma_start3A_62] : memref<4x32x256xf32, #tpu.memory_space<vmem>> -> memref<1x32x256xf32, #tpu.memory_space<vmem>>
      %dma_start3A_64 = tpu.memref_squeeze %dma_start3A_63 : memref<1x32x256xf32, #tpu.memory_space<vmem>> -> memref<32x256xf32, #tpu.memory_space<vmem>>
      tpu.enqueue_dma source(%dma_start3A_64 : memref<32x256xf32, #tpu.memory_space<vmem>>) target(%dma_start3A_60 : memref<32x256xf32, #tpu.memory_space<hbm>>) target_semaphore(%arg13 : memref<!tpu.dma_semaphore, #tpu.memory_space<semaphore_mem>>)
      %dma_start3A_65 = arith.constant 2 : i32
      %dma_start3A_66 = arith.constant 0 : i32
      %dma_start3A_67 = arith.constant 0 : i32
      %dma_start3A_68 = tpu.memref_slice %arg10[%dma_start3A_65, %dma_start3A_66, %dma_start3A_67] : memref<4x32x256xf32, #tpu.memory_space<vmem>> -> memref<1x32x256xf32, #tpu.memory_space<vmem>>
      %dma_start3A_69 = tpu.memref_squeeze %dma_start3A_68 : memref<1x32x256xf32, #tpu.memory_space<vmem>> -> memref<32x256xf32, #tpu.memory_space<vmem>>
      %dma_start3A_70 = arith.constant 0 : i32
      %dma_start3A_71 = tpu.memref_slice %arg6[%add3A_38, %dma_start3A_70] : memref<16384x256xf32, #tpu.memory_space<hbm>> -> memref<32x256xf32, #tpu.memory_space<hbm>>
      %dma_start3A_72 = arith.constant 0 : i32
      %dma_start3A_73 = tpu.memref_slice %arg6[%add3A_38, %dma_start3A_72] : memref<16384x256xf32, #tpu.memory_space<hbm>> -> memref<32x256xf32, #tpu.memory_space<hbm>>
      %dma_start3A_74 = arith.constant 0 : i32
      %dma_start3A_75 = arith.constant 0 : i32
      %dma_start3A_76 = tpu.memref_slice %arg10[%dma_start3A_65, %dma_start3A_74, %dma_start3A_75] : memref<4x32x256xf32, #tpu.memory_space<vmem>> -> memref<1x32x256xf32, #tpu.memory_space<vmem>>
      %dma_start3A_77 = tpu.memref_squeeze %dma_start3A_76 : memref<1x32x256xf32, #tpu.memory_space<vmem>> -> memref<32x256xf32, #tpu.memory_space<vmem>>
      tpu.enqueue_dma source(%dma_start3A_77 : memref<32x256xf32, #tpu.memory_space<vmem>>) target(%dma_start3A_73 : memref<32x256xf32, #tpu.memory_space<hbm>>) target_semaphore(%arg13 : memref<!tpu.dma_semaphore, #tpu.memory_space<semaphore_mem>>)
      %dma_start3A_78 = arith.constant 3 : i32
      %dma_start3A_79 = arith.constant 0 : i32
      %dma_start3A_80 = arith.constant 0 : i32
      %dma_start3A_81 = tpu.memref_slice %arg10[%dma_start3A_78, %dma_start3A_79, %dma_start3A_80] : memref<4x32x256xf32, #tpu.memory_space<vmem>> -> memref<1x32x256xf32, #tpu.memory_space<vmem>>
      %dma_start3A_82 = tpu.memref_squeeze %dma_start3A_81 : memref<1x32x256xf32, #tpu.memory_space<vmem>> -> memref<32x256xf32, #tpu.memory_space<vmem>>
      %dma_start3A_83 = arith.constant 0 : i32
      %dma_start3A_84 = tpu.memref_slice %arg7[%add3A_38, %dma_start3A_83] : memref<16384x256xf32, #tpu.memory_space<hbm>> -> memref<32x256xf32, #tpu.memory_space<hbm>>
      %dma_start3A_85 = arith.constant 0 : i32
      %dma_start3A_86 = tpu.memref_slice %arg7[%add3A_38, %dma_start3A_85] : memref<16384x256xf32, #tpu.memory_space<hbm>> -> memref<32x256xf32, #tpu.memory_space<hbm>>
      %dma_start3A_87 = arith.constant 0 : i32
      %dma_start3A_88 = arith.constant 0 : i32
      %dma_start3A_89 = tpu.memref_slice %arg10[%dma_start3A_78, %dma_start3A_87, %dma_start3A_88] : memref<4x32x256xf32, #tpu.memory_space<vmem>> -> memref<1x32x256xf32, #tpu.memory_space<vmem>>
      %dma_start3A_90 = tpu.memref_squeeze %dma_start3A_89 : memref<1x32x256xf32, #tpu.memory_space<vmem>> -> memref<32x256xf32, #tpu.memory_space<vmem>>
      tpu.enqueue_dma source(%dma_start3A_90 : memref<32x256xf32, #tpu.memory_space<vmem>>) target(%dma_start3A_86 : memref<32x256xf32, #tpu.memory_space<hbm>>) target_semaphore(%arg13 : memref<!tpu.dma_semaphore, #tpu.memory_space<semaphore_mem>>)
      %dma_wait3A = arith.constant 0 : i32
      %dma_wait3A_91 = arith.constant 0 : i32
      %dma_wait3A_92 = arith.constant 0 : i32
      %dma_wait3A_93 = tpu.memref_slice %arg10[%dma_wait3A, %dma_wait3A_91, %dma_wait3A_92] : memref<4x32x256xf32, #tpu.memory_space<vmem>> -> memref<1x32x256xf32, #tpu.memory_space<vmem>>
      %dma_wait3A_94 = tpu.memref_squeeze %dma_wait3A_93 : memref<1x32x256xf32, #tpu.memory_space<vmem>> -> memref<32x256xf32, #tpu.memory_space<vmem>>
      %dma_wait3A_95 = arith.constant 0 : i32
      %dma_wait3A_96 = tpu.memref_slice %arg4[%add3A_38, %dma_wait3A_95] : memref<16384x256xf32, #tpu.memory_space<hbm>> -> memref<32x256xf32, #tpu.memory_space<hbm>>
      %dma_wait3A_97 = arith.constant 0 : i32
      %dma_wait3A_98 = tpu.memref_slice %arg4[%add3A_38, %dma_wait3A_97] : memref<16384x256xf32, #tpu.memory_space<hbm>> -> memref<32x256xf32, #tpu.memory_space<hbm>>
      %dma_wait3A_99 = arith.constant 0 : i32
      %dma_wait3A_100 = arith.constant 0 : i32
      %dma_wait3A_101 = tpu.memref_slice %arg10[%dma_wait3A, %dma_wait3A_99, %dma_wait3A_100] : memref<4x32x256xf32, #tpu.memory_space<vmem>> -> memref<1x32x256xf32, #tpu.memory_space<vmem>>
      %dma_wait3A_102 = tpu.memref_squeeze %dma_wait3A_101 : memref<1x32x256xf32, #tpu.memory_space<vmem>> -> memref<32x256xf32, #tpu.memory_space<vmem>>
      tpu.wait_dma2 semaphore(%arg13 : memref<!tpu.dma_semaphore, #tpu.memory_space<semaphore_mem>>) src(%dma_wait3A_102 : memref<32x256xf32, #tpu.memory_space<vmem>>) dst(%dma_wait3A_98 : memref<32x256xf32, #tpu.memory_space<hbm>>)
      %dma_wait3A_103 = arith.constant 1 : i32
      %dma_wait3A_104 = arith.constant 0 : i32
      %dma_wait3A_105 = arith.constant 0 : i32
      %dma_wait3A_106 = tpu.memref_slice %arg10[%dma_wait3A_103, %dma_wait3A_104, %dma_wait3A_105] : memref<4x32x256xf32, #tpu.memory_space<vmem>> -> memref<1x32x256xf32, #tpu.memory_space<vmem>>
      %dma_wait3A_107 = tpu.memref_squeeze %dma_wait3A_106 : memref<1x32x256xf32, #tpu.memory_space<vmem>> -> memref<32x256xf32, #tpu.memory_space<vmem>>
      %dma_wait3A_108 = arith.constant 0 : i32
      %dma_wait3A_109 = tpu.memref_slice %arg5[%add3A_38, %dma_wait3A_108] : memref<16384x256xf32, #tpu.memory_space<hbm>> -> memref<32x256xf32, #tpu.memory_space<hbm>>
      %dma_wait3A_110 = arith.constant 0 : i32
      %dma_wait3A_111 = tpu.memref_slice %arg5[%add3A_38, %dma_wait3A_110] : memref<16384x256xf32, #tpu.memory_space<hbm>> -> memref<32x256xf32, #tpu.memory_space<hbm>>
      %dma_wait3A_112 = arith.constant 0 : i32
      %dma_wait3A_113 = arith.constant 0 : i32
      %dma_wait3A_114 = tpu.memref_slice %arg10[%dma_wait3A_103, %dma_wait3A_112, %dma_wait3A_113] : memref<4x32x256xf32, #tpu.memory_space<vmem>> -> memref<1x32x256xf32, #tpu.memory_space<vmem>>
      %dma_wait3A_115 = tpu.memref_squeeze %dma_wait3A_114 : memref<1x32x256xf32, #tpu.memory_space<vmem>> -> memref<32x256xf32, #tpu.memory_space<vmem>>
      tpu.wait_dma2 semaphore(%arg13 : memref<!tpu.dma_semaphore, #tpu.memory_space<semaphore_mem>>) src(%dma_wait3A_115 : memref<32x256xf32, #tpu.memory_space<vmem>>) dst(%dma_wait3A_111 : memref<32x256xf32, #tpu.memory_space<hbm>>)
      %dma_wait3A_116 = arith.constant 2 : i32
      %dma_wait3A_117 = arith.constant 0 : i32
      %dma_wait3A_118 = arith.constant 0 : i32
      %dma_wait3A_119 = tpu.memref_slice %arg10[%dma_wait3A_116, %dma_wait3A_117, %dma_wait3A_118] : memref<4x32x256xf32, #tpu.memory_space<vmem>> -> memref<1x32x256xf32, #tpu.memory_space<vmem>>
      %dma_wait3A_120 = tpu.memref_squeeze %dma_wait3A_119 : memref<1x32x256xf32, #tpu.memory_space<vmem>> -> memref<32x256xf32, #tpu.memory_space<vmem>>
      %dma_wait3A_121 = arith.constant 0 : i32
      %dma_wait3A_122 = tpu.memref_slice %arg6[%add3A_38, %dma_wait3A_121] : memref<16384x256xf32, #tpu.memory_space<hbm>> -> memref<32x256xf32, #tpu.memory_space<hbm>>
      %dma_wait3A_123 = arith.constant 0 : i32
      %dma_wait3A_124 = tpu.memref_slice %arg6[%add3A_38, %dma_wait3A_123] : memref<16384x256xf32, #tpu.memory_space<hbm>> -> memref<32x256xf32, #tpu.memory_space<hbm>>
      %dma_wait3A_125 = arith.constant 0 : i32
      %dma_wait3A_126 = arith.constant 0 : i32
      %dma_wait3A_127 = tpu.memref_slice %arg10[%dma_wait3A_116, %dma_wait3A_125, %dma_wait3A_126] : memref<4x32x256xf32, #tpu.memory_space<vmem>> -> memref<1x32x256xf32, #tpu.memory_space<vmem>>
      %dma_wait3A_128 = tpu.memref_squeeze %dma_wait3A_127 : memref<1x32x256xf32, #tpu.memory_space<vmem>> -> memref<32x256xf32, #tpu.memory_space<vmem>>
      tpu.wait_dma2 semaphore(%arg13 : memref<!tpu.dma_semaphore, #tpu.memory_space<semaphore_mem>>) src(%dma_wait3A_128 : memref<32x256xf32, #tpu.memory_space<vmem>>) dst(%dma_wait3A_124 : memref<32x256xf32, #tpu.memory_space<hbm>>)
      %dma_wait3A_129 = arith.constant 3 : i32
      %dma_wait3A_130 = arith.constant 0 : i32
      %dma_wait3A_131 = arith.constant 0 : i32
      %dma_wait3A_132 = tpu.memref_slice %arg10[%dma_wait3A_129, %dma_wait3A_130, %dma_wait3A_131] : memref<4x32x256xf32, #tpu.memory_space<vmem>> -> memref<1x32x256xf32, #tpu.memory_space<vmem>>
      %dma_wait3A_133 = tpu.memref_squeeze %dma_wait3A_132 : memref<1x32x256xf32, #tpu.memory_space<vmem>> -> memref<32x256xf32, #tpu.memory_space<vmem>>
      %dma_wait3A_134 = arith.constant 0 : i32
      %dma_wait3A_135 = tpu.memref_slice %arg7[%add3A_38, %dma_wait3A_134] : memref<16384x256xf32, #tpu.memory_space<hbm>> -> memref<32x256xf32, #tpu.memory_space<hbm>>
      %dma_wait3A_136 = arith.constant 0 : i32
      %dma_wait3A_137 = tpu.memref_slice %arg7[%add3A_38, %dma_wait3A_136] : memref<16384x256xf32, #tpu.memory_space<hbm>> -> memref<32x256xf32, #tpu.memory_space<hbm>>
      %dma_wait3A_138 = arith.constant 0 : i32
      %dma_wait3A_139 = arith.constant 0 : i32
      %dma_wait3A_140 = tpu.memref_slice %arg10[%dma_wait3A_129, %dma_wait3A_138, %dma_wait3A_139] : memref<4x32x256xf32, #tpu.memory_space<vmem>> -> memref<1x32x256xf32, #tpu.memory_space<vmem>>
      %dma_wait3A_141 = tpu.memref_squeeze %dma_wait3A_140 : memref<1x32x256xf32, #tpu.memory_space<vmem>> -> memref<32x256xf32, #tpu.memory_space<vmem>>
      tpu.wait_dma2 semaphore(%arg13 : memref<!tpu.dma_semaphore, #tpu.memory_space<semaphore_mem>>) src(%dma_wait3A_141 : memref<32x256xf32, #tpu.memory_space<vmem>>) dst(%dma_wait3A_137 : memref<32x256xf32, #tpu.memory_space<hbm>>)
    }
    %scan3A_28 = arith.constant 16 : i32
    return
  }
}

module attributes {stable_mosaic.version = 14 : i64} {
  func.func @_c1_body(%arg0: i32, %arg1: memref<1024x256xf32, #tpu.memory_space<vmem>>, %arg2: memref<1024x256xf32, #tpu.memory_space<vmem>>, %arg3: memref<1024x256xf32, #tpu.memory_space<vmem>>, %arg4: memref<1x256xf32, #tpu.memory_space<vmem>>, %arg5: memref<1x256xf32, #tpu.memory_space<vmem>>, %arg6: memref<2x256xf32, #tpu.memory_space<vmem>>, %arg7: memref<8x256xf32, #tpu.memory_space<vmem>>) attributes {dimension_semantics = [#tpu.dimension_semantics<arbitrary>], iteration_bounds = array<i64: 16>, scalar_prefetch = 0 : i64, scratch_operands = 1 : i64, tpu.core_type = #tpu.core_type<tc>, window_params = [{transform_indices = @transform_0, window_bounds = array<i64: 1024, 256>}, {transform_indices = @transform_1, window_bounds = array<i64: 1024, 256>}, {transform_indices = @transform_2, window_bounds = array<i64: 1024, 256>}, {pipeline_mode = #tpu.pipeline_mode<synchronous>, transform_indices = @transform_3, window_bounds = array<i64: 1, 256>}, {pipeline_mode = #tpu.pipeline_mode<synchronous>, transform_indices = @transform_4, window_bounds = array<i64: 1, 256>}, {pipeline_mode = #tpu.pipeline_mode<synchronous>, transform_indices = @transform_5, window_bounds = array<i64: 2, 256>}]} {
    %eq3A = arith.constant 0 : i32
    %eq3A_0 = arith.cmpi eq, %arg0, %eq3A : i32
    %convert_element_type3A = arith.extui %eq3A_0 : i1 to i32
    %cond3A = arith.constant 0 : i32
    %cond3A_1 = arith.cmpi ne, %convert_element_type3A, %cond3A : i32
    scf.if %cond3A_1 {
      %broadcast_in_dim3A_62 = arith.constant 0.000000e+00 : f32
      %broadcast_in_dim3A_63 = vector.broadcast %broadcast_in_dim3A_62 : f32 to vector<8x256xf32>
      %swap3A_64 = arith.constant 0 : index
      %swap3A_65 = arith.constant 0 : index
      %swap3A_66 = vector.load %arg7[%swap3A_64, %swap3A_65] : memref<8x256xf32, #tpu.memory_space<vmem>>, vector<8x256xf32>
      tpu.vector_store %arg7[%swap3A_64, %swap3A_65], %broadcast_in_dim3A_63 {strides = array<i32>} : memref<8x256xf32, #tpu.memory_space<vmem>>, vector<8x256xf32>,
    } else {
    }
    %get3A = arith.constant 0 : index
    %get3A_2 = arith.constant 0 : index
    %get3A_3 = vector.load %arg1[%get3A, %get3A_2] : memref<1024x256xf32, #tpu.memory_space<vmem>>, vector<1024x256xf32>
    %get3A_4 = arith.constant 0 : index
    %get3A_5 = arith.constant 0 : index
    %get3A_6 = vector.load %arg2[%get3A_4, %get3A_5] : memref<1024x256xf32, #tpu.memory_space<vmem>>, vector<1024x256xf32>
    %get3A_7 = arith.constant 0 : index
    %get3A_8 = arith.constant 0 : index
    %get3A_9 = vector.load %arg3[%get3A_7, %get3A_8] : memref<1024x256xf32, #tpu.memory_space<vmem>>, vector<1024x256xf32>
    %get3A_10 = arith.constant 0 : index
    %get3A_11 = arith.constant 0 : index
    %get3A_12 = vector.load %arg7[%get3A_10, %get3A_11] : memref<8x256xf32, #tpu.memory_space<vmem>>, vector<1x256xf32>
    %reduce_sum3A = arith.constant dense<0.000000e+00> : vector<256xf32>
    %reduce_sum3A_13 = vector.multi_reduction <add>, %get3A_3, %reduce_sum3A [0] : vector<1024x256xf32> to vector<256xf32>
    %broadcast_in_dim3A = vector.shape_cast %reduce_sum3A_13 : vector<256xf32> to vector<1x256xf32>
    %add3A = arith.addf %get3A_12, %broadcast_in_dim3A : vector<1x256xf32>
    %swap3A = arith.constant 0 : index
    %swap3A_14 = arith.constant 0 : index
    %swap3A_15 = vector.load %arg7[%swap3A, %swap3A_14] : memref<8x256xf32, #tpu.memory_space<vmem>>, vector<1x256xf32>
    tpu.vector_store %arg7[%swap3A, %swap3A_14], %add3A {strides = array<i32>} : memref<8x256xf32, #tpu.memory_space<vmem>>, vector<1x256xf32>,
    %get3A_16 = arith.constant 1 : index
    %get3A_17 = arith.constant 0 : index
    %get3A_18 = vector.load %arg7[%get3A_16, %get3A_17] : memref<8x256xf32, #tpu.memory_space<vmem>>, vector<1x256xf32>
    %reduce_sum3A_19 = arith.constant dense<0.000000e+00> : vector<256xf32>
    %reduce_sum3A_20 = vector.multi_reduction <add>, %get3A_6, %reduce_sum3A_19 [0] : vector<1024x256xf32> to vector<256xf32>
    %broadcast_in_dim3A_21 = vector.shape_cast %reduce_sum3A_20 : vector<256xf32> to vector<1x256xf32>
    %add3A_22 = arith.addf %get3A_18, %broadcast_in_dim3A_21 : vector<1x256xf32>
    %swap3A_23 = arith.constant 1 : index
    %swap3A_24 = arith.constant 0 : index
    %swap3A_25 = vector.load %arg7[%swap3A_23, %swap3A_24] : memref<8x256xf32, #tpu.memory_space<vmem>>, vector<1x256xf32>
    tpu.vector_store %arg7[%swap3A_23, %swap3A_24], %add3A_22 {strides = array<i32>} : memref<8x256xf32, #tpu.memory_space<vmem>>, vector<1x256xf32>,
    %get3A_26 = arith.constant 2 : index
    %get3A_27 = arith.constant 0 : index
    %get3A_28 = vector.load %arg7[%get3A_26, %get3A_27] : memref<8x256xf32, #tpu.memory_space<vmem>>, vector<1x256xf32>
    %mul3A = arith.mulf %get3A_9, %get3A_3 : vector<1024x256xf32>
    %reduce_sum3A_29 = arith.constant dense<0.000000e+00> : vector<256xf32>
    %reduce_sum3A_30 = vector.multi_reduction <add>, %mul3A, %reduce_sum3A_29 [0] : vector<1024x256xf32> to vector<256xf32>
    %broadcast_in_dim3A_31 = vector.shape_cast %reduce_sum3A_30 : vector<256xf32> to vector<1x256xf32>
    %add3A_32 = arith.addf %get3A_28, %broadcast_in_dim3A_31 : vector<1x256xf32>
    %swap3A_33 = arith.constant 2 : index
    %swap3A_34 = arith.constant 0 : index
    %swap3A_35 = vector.load %arg7[%swap3A_33, %swap3A_34] : memref<8x256xf32, #tpu.memory_space<vmem>>, vector<1x256xf32>
    tpu.vector_store %arg7[%swap3A_33, %swap3A_34], %add3A_32 {strides = array<i32>} : memref<8x256xf32, #tpu.memory_space<vmem>>, vector<1x256xf32>,
    %get3A_36 = arith.constant 3 : index
    %get3A_37 = arith.constant 0 : index
    %get3A_38 = vector.load %arg7[%get3A_36, %get3A_37] : memref<8x256xf32, #tpu.memory_space<vmem>>, vector<1x256xf32>
    %reduce_sum3A_39 = arith.constant dense<0.000000e+00> : vector<256xf32>
    %reduce_sum3A_40 = vector.multi_reduction <add>, %get3A_9, %reduce_sum3A_39 [0] : vector<1024x256xf32> to vector<256xf32>
    %broadcast_in_dim3A_41 = vector.shape_cast %reduce_sum3A_40 : vector<256xf32> to vector<1x256xf32>
    %add3A_42 = arith.addf %get3A_38, %broadcast_in_dim3A_41 : vector<1x256xf32>
    %swap3A_43 = arith.constant 3 : index
    %swap3A_44 = arith.constant 0 : index
    %swap3A_45 = vector.load %arg7[%swap3A_43, %swap3A_44] : memref<8x256xf32, #tpu.memory_space<vmem>>, vector<1x256xf32>
    tpu.vector_store %arg7[%swap3A_43, %swap3A_44], %add3A_42 {strides = array<i32>} : memref<8x256xf32, #tpu.memory_space<vmem>>, vector<1x256xf32>,
    %get3A_46 = arith.constant 4 : index
    %get3A_47 = arith.constant 0 : index
    %get3A_48 = vector.load %arg7[%get3A_46, %get3A_47] : memref<8x256xf32, #tpu.memory_space<vmem>>, vector<1x256xf32>
    %mul3A_49 = arith.mulf %get3A_9, %get3A_9 : vector<1024x256xf32>
    %reduce_sum3A_50 = arith.constant dense<0.000000e+00> : vector<256xf32>
    %reduce_sum3A_51 = vector.multi_reduction <add>, %mul3A_49, %reduce_sum3A_50 [0] : vector<1024x256xf32> to vector<256xf32>
    %broadcast_in_dim3A_52 = vector.shape_cast %reduce_sum3A_51 : vector<256xf32> to vector<1x256xf32>
    %add3A_53 = arith.addf %get3A_48, %broadcast_in_dim3A_52 : vector<1x256xf32>
    %swap3A_54 = arith.constant 4 : index
    %swap3A_55 = arith.constant 0 : index
    %swap3A_56 = vector.load %arg7[%swap3A_54, %swap3A_55] : memref<8x256xf32, #tpu.memory_space<vmem>>, vector<1x256xf32>
    tpu.vector_store %arg7[%swap3A_54, %swap3A_55], %add3A_53 {strides = array<i32>} : memref<8x256xf32, #tpu.memory_space<vmem>>, vector<1x256xf32>,
    %eq3A_57 = arith.constant 15 : i32
    %eq3A_58 = arith.cmpi eq, %arg0, %eq3A_57 : i32
    %convert_element_type3A_59 = arith.extui %eq3A_58 : i1 to i32
    %cond3A_60 = arith.constant 0 : i32
    %cond3A_61 = arith.cmpi ne, %convert_element_type3A_59, %cond3A_60 : i32
    scf.if %cond3A_61 {
      %get3A_62 = arith.constant 0 : index
      %get3A_63 = arith.constant 0 : index
      %get3A_64 = vector.load %arg7[%get3A_62, %get3A_63] : memref<8x256xf32, #tpu.memory_space<vmem>>, vector<1x256xf32>
      %get3A_65 = arith.constant 1 : index
      %get3A_66 = arith.constant 0 : index
      %get3A_67 = vector.load %arg7[%get3A_65, %get3A_66] : memref<8x256xf32, #tpu.memory_space<vmem>>, vector<1x256xf32>
      %get3A_68 = arith.constant 2 : index
      %get3A_69 = arith.constant 0 : index
      %get3A_70 = vector.load %arg7[%get3A_68, %get3A_69] : memref<8x256xf32, #tpu.memory_space<vmem>>, vector<1x256xf32>
      %get3A_71 = arith.constant 3 : index
      %get3A_72 = arith.constant 0 : index
      %get3A_73 = vector.load %arg7[%get3A_71, %get3A_72] : memref<8x256xf32, #tpu.memory_space<vmem>>, vector<1x256xf32>
      %get3A_74 = arith.constant 4 : index
      %get3A_75 = arith.constant 0 : index
      %get3A_76 = vector.load %arg7[%get3A_74, %get3A_75] : memref<8x256xf32, #tpu.memory_space<vmem>>, vector<1x256xf32>
      %mul3A_77 = arith.constant 2.000000e+01 : f32
      %mul3A_78 = vector.broadcast %mul3A_77 : f32 to vector<1x256xf32>
      %mul3A_79 = arith.mulf %mul3A_78, %get3A_73 : vector<1x256xf32>
      %add3A_80 = arith.addf %get3A_64, %mul3A_79 : vector<1x256xf32>
      %mul3A_81 = arith.constant 3.05175786E-6 : f32
      %mul3A_82 = vector.broadcast %mul3A_81 : f32 to vector<1x256xf32>
      %mul3A_83 = arith.mulf %add3A_80, %mul3A_82 : vector<1x256xf32>
      %mul3A_84 = arith.constant 2.000000e+00 : f32
      %mul3A_85 = vector.broadcast %mul3A_84 : f32 to vector<1x256xf32>
      %mul3A_86 = arith.mulf %mul3A_85, %get3A_70 : vector<1x256xf32>
      %add3A_87 = arith.addf %get3A_67, %mul3A_86 : vector<1x256xf32>
      %mul3A_88 = arith.constant 2.000000e+01 : f32
      %mul3A_89 = vector.broadcast %mul3A_88 : f32 to vector<1x256xf32>
      %mul3A_90 = arith.mulf %mul3A_89, %get3A_76 : vector<1x256xf32>
      %add3A_91 = arith.addf %add3A_87, %mul3A_90 : vector<1x256xf32>
      %mul3A_92 = arith.constant 3.05175786E-6 : f32
      %mul3A_93 = vector.broadcast %mul3A_92 : f32 to vector<1x256xf32>
      %mul3A_94 = arith.mulf %add3A_91, %mul3A_93 : vector<1x256xf32>
      %mul3A_95 = arith.mulf %mul3A_83, %mul3A_83 : vector<1x256xf32>
      %sub3A = arith.subf %mul3A_94, %mul3A_95 : vector<1x256xf32>
      %get3A_96 = arith.constant 0 : index
      %get3A_97 = arith.constant 0 : index
      %get3A_98 = vector.load %arg4[%get3A_96, %get3A_97] : memref<1x256xf32, #tpu.memory_space<vmem>>, vector<1x256xf32>
      %add3A_99 = arith.constant 9.99999974E-6 : f32
      %add3A_100 = vector.broadcast %add3A_99 : f32 to vector<1x256xf32>
      %add3A_101 = arith.addf %sub3A, %add3A_100 : vector<1x256xf32>
      %rsqrt3A = math.rsqrt %add3A_101 : vector<1x256xf32>
      %mul3A_102 = arith.mulf %get3A_98, %rsqrt3A : vector<1x256xf32>
      %get3A_103 = arith.constant 0 : index
      %get3A_104 = arith.constant 0 : index
      %get3A_105 = vector.load %arg5[%get3A_103, %get3A_104] : memref<1x256xf32, #tpu.memory_space<vmem>>, vector<1x256xf32>
      %mul3A_106 = arith.mulf %mul3A_83, %mul3A_102 : vector<1x256xf32>
      %sub3A_107 = arith.subf %get3A_105, %mul3A_106 : vector<1x256xf32>
      %swap3A_108 = arith.constant 0 : index
      %swap3A_109 = arith.constant 0 : index
      %swap3A_110 = vector.load %arg6[%swap3A_108, %swap3A_109] : memref<2x256xf32, #tpu.memory_space<vmem>>, vector<1x256xf32>
      tpu.vector_store %arg6[%swap3A_108, %swap3A_109], %mul3A_102 {strides = array<i32>} : memref<2x256xf32, #tpu.memory_space<vmem>>, vector<1x256xf32>,
      %swap3A_111 = arith.constant 1 : index
      %swap3A_112 = arith.constant 0 : index
      %swap3A_113 = vector.load %arg6[%swap3A_111, %swap3A_112] : memref<2x256xf32, #tpu.memory_space<vmem>>, vector<1x256xf32>
      tpu.vector_store %arg6[%swap3A_111, %swap3A_112], %sub3A_107 {strides = array<i32>} : memref<2x256xf32, #tpu.memory_space<vmem>>, vector<1x256xf32>,
    } else {
    }
    return
  }
  func.func @transform_0(%arg0: i32) -> (i32, i32) {
    %c0_i32 = arith.constant 0 : i32
    %c0_i32_0 = arith.constant 0 : i32
    return %arg0, %c0_i32 : i32, i32
  }
  func.func @transform_1(%arg0: i32) -> (i32, i32) {
    %c0_i32 = arith.constant 0 : i32
    %c0_i32_0 = arith.constant 0 : i32
    return %arg0, %c0_i32 : i32, i32
  }
  func.func @transform_2(%arg0: i32) -> (i32, i32) {
    %c0_i32 = arith.constant 0 : i32
    %c0_i32_0 = arith.constant 0 : i32
    return %arg0, %c0_i32 : i32, i32
  }
  func.func @transform_3(%arg0: i32) -> (i32, i32) {
    %c0_i32 = arith.constant 0 : i32
    %c0_i32_0 = arith.constant 0 : i32
    %c0_i32_1 = arith.constant 0 : i32
    return %c0_i32, %c0_i32_0 : i32, i32
  }
  func.func @transform_4(%arg0: i32) -> (i32, i32) {
    %c0_i32 = arith.constant 0 : i32
    %c0_i32_0 = arith.constant 0 : i32
    %c0_i32_1 = arith.constant 0 : i32
    return %c0_i32, %c0_i32_0 : i32, i32
  }
  func.func @transform_5(%arg0: i32) -> (i32, i32) {
    %c0_i32 = arith.constant 0 : i32
    %c0_i32_0 = arith.constant 0 : i32
    %c0_i32_1 = arith.constant 0 : i32
    return %c0_i32, %c0_i32_0 : i32, i32
  }
}

module attributes {stable_mosaic.version = 14 : i64} {
  func.func @_knn_body(%arg0: i32, %arg1: i32, %arg2: memref<1x128x256xf32, #tpu.memory_space<vmem>>, %arg3: memref<1x128x4096xf32, #tpu.memory_space<vmem>>, %arg4: memref<128x512xf32, #tpu.memory_space<vmem>>, %arg5: memref<1x256x24xi32, #tpu.memory_space<vmem>>, %arg6: memref<1x256x256xf32, #tpu.memory_space<vmem>>, %arg7: memref<1x256x256xf32, #tpu.memory_space<vmem>>) attributes {dimension_semantics = [#tpu.dimension_semantics<arbitrary>, #tpu.dimension_semantics<arbitrary>], iteration_bounds = array<i64: 4, 16>, scalar_prefetch = 0 : i64, scratch_operands = 0 : i64, tpu.core_type = #tpu.core_type<tc>, window_params = [{transform_indices = @transform_0, window_bounds = array<i64: 1, 128, 256>}, {transform_indices = @transform_1, window_bounds = array<i64: 1, 128, 4096>}, {pipeline_mode = #tpu.pipeline_mode<synchronous>, transform_indices = @transform_2, window_bounds = array<i64: 128, 512>}, {transform_indices = @transform_3, window_bounds = array<i64: 1, 256, 24>}, {transform_indices = @transform_4, window_bounds = array<i64: 1, 256, 256>}, {transform_indices = @transform_5, window_bounds = array<i64: 1, 256, 256>}]} {
    %get3A = arith.constant 0 : index
    %get3A_0 = arith.constant 0 : index
    %get3A_1 = arith.constant 0 : index
    %get3A_2 = vector.load %arg2[%get3A, %get3A_0, %get3A_1] : memref<1x128x256xf32, #tpu.memory_space<vmem>>, vector<1x128x256xf32>
    %get3A_3 = vector.shape_cast %get3A_2 : vector<1x128x256xf32> to vector<128x256xf32>
    %get3A_4 = arith.constant 0 : index
    %get3A_5 = arith.constant 0 : index
    %get3A_6 = arith.constant 0 : index
    %get3A_7 = vector.load %arg3[%get3A_4, %get3A_5, %get3A_6] : memref<1x128x4096xf32, #tpu.memory_space<vmem>>, vector<1x128x4096xf32>
    %get3A_8 = vector.shape_cast %get3A_7 : vector<1x128x4096xf32> to vector<128x4096xf32>
    %get3A_9 = arith.constant 0 : index
    %get3A_10 = arith.constant 0 : index
    %get3A_11 = vector.load %arg4[%get3A_9, %get3A_10] : memref<128x512xf32, #tpu.memory_space<vmem>>, vector<128x512xf32>
    %dot_general3A = arith.constant dense<0.000000e+00> : vector<256x512xf32>
    %dot_general3A_12 = tpu.matmul %get3A_3, %get3A_11, %dot_general3A {dimension_numbers = #tpu.dot_dimension_numbers<[0], [0], [1], [1], [0, 1, 1, 1], [], []>, transpose_lhs_hint = false} : vector<128x256xf32>, vector<128x512xf32>, vector<256x512xf32> -> vector<256x512xf32>
    %slice3A = vector.extract_strided_slice %dot_general3A_12 {offsets = [0, 0], sizes = [256, 256], strides = [1, 1]} : vector<256x512xf32> to vector<256x256xf32>
    %swap3A = arith.constant 0 : index
    %swap3A_13 = arith.constant 0 : index
    %swap3A_14 = arith.constant 0 : index
    %swap3A_15 = vector.load %arg6[%swap3A, %swap3A_13, %swap3A_14] : memref<1x256x256xf32, #tpu.memory_space<vmem>>, vector<1x256x256xf32>
    %swap3A_16 = vector.shape_cast %swap3A_15 : vector<1x256x256xf32> to vector<256x256xf32>
    %swap3A_17 = vector.shape_cast %slice3A : vector<256x256xf32> to vector<1x256x256xf32>
    tpu.vector_store %arg6[%swap3A, %swap3A_13, %swap3A_14], %swap3A_17 {strides = array<i32>} : memref<1x256x256xf32, #tpu.memory_space<vmem>>, vector<1x256x256xf32>,
    %slice3A_18 = vector.extract_strided_slice %dot_general3A_12 {offsets = [0, 256], sizes = [256, 256], strides = [1, 1]} : vector<256x512xf32> to vector<256x256xf32>
    %swap3A_19 = arith.constant 0 : index
    %swap3A_20 = arith.constant 0 : index
    %swap3A_21 = arith.constant 0 : index
    %swap3A_22 = vector.load %arg7[%swap3A_19, %swap3A_20, %swap3A_21] : memref<1x256x256xf32, #tpu.memory_space<vmem>>, vector<1x256x256xf32>
    %swap3A_23 = vector.shape_cast %swap3A_22 : vector<1x256x256xf32> to vector<256x256xf32>
    %swap3A_24 = vector.shape_cast %slice3A_18 : vector<256x256xf32> to vector<1x256x256xf32>
    tpu.vector_store %arg7[%swap3A_19, %swap3A_20, %swap3A_21], %swap3A_24 {strides = array<i32>} : memref<1x256x256xf32, #tpu.memory_space<vmem>>, vector<1x256x256xf32>,
    %dot_general3A_25 = arith.constant dense<0.000000e+00> : vector<256x4096xf32>
    %dot_general3A_26 = tpu.matmul %get3A_3, %get3A_8, %dot_general3A_25 {dimension_numbers = #tpu.dot_dimension_numbers<[0], [0], [1], [1], [0, 1, 1, 1], [], []>, transpose_lhs_hint = false} : vector<128x256xf32>, vector<128x4096xf32>, vector<256x4096xf32> -> vector<256x4096xf32>
    %mul3A = arith.mulf %get3A_8, %get3A_8 : vector<128x4096xf32>
    %reduce_sum3A = arith.constant dense<0.000000e+00> : vector<4096xf32>
    %reduce_sum3A_27 = vector.multi_reduction <add>, %mul3A, %reduce_sum3A [0] : vector<128x4096xf32> to vector<4096xf32>
    %broadcast_in_dim3A = vector.shape_cast %reduce_sum3A_27 : vector<4096xf32> to vector<1x4096xf32>
    %mul3A_28 = arith.constant 2.000000e+00 : f32
    %mul3A_29 = vector.broadcast %mul3A_28 : f32 to vector<256x4096xf32>
    %mul3A_30 = arith.mulf %mul3A_29, %dot_general3A_26 : vector<256x4096xf32>
    %sub3A = vector.broadcast %broadcast_in_dim3A : vector<1x4096xf32> to vector<256x4096xf32>
    %sub3A_31 = arith.subf %mul3A_30, %sub3A : vector<256x4096xf32>
    %iota3A = tpu.iota {dimensions = array<i32: 1>} : vector<256x4096xi32>
    %mul3A_32 = arith.constant 4096 : i32
    %mul3A_33 = arith.muli %arg0, %mul3A_32 : i32
    %reduce_max3A = arith.constant dense<0xFF800000> : vector<256xf32>
    %reduce_max3A_34 = vector.multi_reduction <maximumf>, %sub3A_31, %reduce_max3A [1] : vector<256x4096xf32> to vector<256xf32>
    %broadcast_in_dim3A_35 = vector.shape_cast %reduce_max3A_34 : vector<256xf32> to vector<256x1xf32>
    %eq3A = vector.broadcast %broadcast_in_dim3A_35 : vector<256x1xf32> to vector<256x4096xf32>
    %eq3A_36 = arith.cmpf oeq, %sub3A_31, %eq3A : vector<256x4096xf32>
    %jit3A = arith.constant 4096 : i32
    %broadcast_in_dim3A_37 = vector.broadcast %jit3A : i32 to vector<256x4096xi32>
    %select_n3A = arith.select %eq3A_36, %iota3A, %broadcast_in_dim3A_37 : vector<256x4096xi1>, vector<256x4096xi32>
    %reduce_min3A = arith.constant dense<2147483647> : vector<256xi32>
    %reduce_min3A_38 = vector.multi_reduction <minsi>, %select_n3A, %reduce_min3A [1] : vector<256x4096xi32> to vector<256xi32>
    %broadcast_in_dim3A_39 = vector.shape_cast %reduce_min3A_38 : vector<256xi32> to vector<256x1xi32>
    %add3A = vector.broadcast %mul3A_33 : i32 to vector<256x1xi32>
    %add3A_40 = arith.addi %broadcast_in_dim3A_39, %add3A : vector<256x1xi32>
    %swap3A_41 = arith.constant 0 : index
    %swap3A_42 = arith.constant 0 : index
    %swap3A_43 = arith.constant 0 : index
    %swap3A_44 = vector.load %arg5[%swap3A_41, %swap3A_42, %swap3A_43] : memref<1x256x24xi32, #tpu.memory_space<vmem>>, vector<1x256x1xi32>
    %swap3A_45 = vector.shape_cast %swap3A_44 : vector<1x256x1xi32> to vector<256x1xi32>
    %swap3A_46 = vector.shape_cast %add3A_40 : vector<256x1xi32> to vector<1x256x1xi32>
    tpu.vector_store %arg5[%swap3A_41, %swap3A_42, %swap3A_43], %swap3A_46 {strides = array<i32>} : memref<1x256x24xi32, #tpu.memory_space<vmem>>, vector<1x256x1xi32>,
    %add3A_47 = vector.broadcast %mul3A_33 : i32 to vector<256x1xi32>
    %add3A_48 = arith.addi %broadcast_in_dim3A_39, %add3A_47 : vector<256x1xi32>
    %eq3A_49 = vector.broadcast %broadcast_in_dim3A_39 : vector<256x1xi32> to vector<256x4096xi32>
    %eq3A_50 = arith.cmpi eq, %iota3A, %eq3A_49 : vector<256x4096xi32>
    %jit3A_51 = arith.constant 0xFF800000 : f32
    %broadcast_in_dim3A_52 = vector.broadcast %jit3A_51 : f32 to vector<256x4096xf32>
    %select_n3A_53 = arith.select %eq3A_50, %broadcast_in_dim3A_52, %sub3A_31 : vector<256x4096xi1>, vector<256x4096xf32>
    %reduce_max3A_54 = arith.constant dense<0xFF800000> : vector<256xf32>
    %reduce_max3A_55 = vector.multi_reduction <maximumf>, %select_n3A_53, %reduce_max3A_54 [1] : vector<256x4096xf32> to vector<256xf32>
    %broadcast_in_dim3A_56 = vector.shape_cast %reduce_max3A_55 : vector<256xf32> to vector<256x1xf32>
    %eq3A_57 = vector.broadcast %broadcast_in_dim3A_56 : vector<256x1xf32> to vector<256x4096xf32>
    %eq3A_58 = arith.cmpf oeq, %select_n3A_53, %eq3A_57 : vector<256x4096xf32>
    %jit3A_59 = arith.constant 4096 : i32
    %broadcast_in_dim3A_60 = vector.broadcast %jit3A_59 : i32 to vector<256x4096xi32>
    %select_n3A_61 = arith.select %eq3A_58, %iota3A, %broadcast_in_dim3A_60 : vector<256x4096xi1>, vector<256x4096xi32>
    %reduce_min3A_62 = arith.constant dense<2147483647> : vector<256xi32>
    %reduce_min3A_63 = vector.multi_reduction <minsi>, %select_n3A_61, %reduce_min3A_62 [1] : vector<256x4096xi32> to vector<256xi32>
    %broadcast_in_dim3A_64 = vector.shape_cast %reduce_min3A_63 : vector<256xi32> to vector<256x1xi32>
    %add3A_65 = vector.broadcast %mul3A_33 : i32 to vector<256x1xi32>
    %add3A_66 = arith.addi %broadcast_in_dim3A_64, %add3A_65 : vector<256x1xi32>
    %swap3A_67 = arith.constant 0 : index
    %swap3A_68 = arith.constant 0 : index
    %swap3A_69 = arith.constant 1 : index
    %swap3A_70 = vector.load %arg5[%swap3A_67, %swap3A_68, %swap3A_69] : memref<1x256x24xi32, #tpu.memory_space<vmem>>, vector<1x256x1xi32>
    %swap3A_71 = vector.shape_cast %swap3A_70 : vector<1x256x1xi32> to vector<256x1xi32>
    %swap3A_72 = vector.shape_cast %add3A_66 : vector<256x1xi32> to vector<1x256x1xi32>
    tpu.vector_store %arg5[%swap3A_67, %swap3A_68, %swap3A_69], %swap3A_72 {strides = array<i32>} : memref<1x256x24xi32, #tpu.memory_space<vmem>>, vector<1x256x1xi32>,
    %eq3A_73 = vector.broadcast %broadcast_in_dim3A_64 : vector<256x1xi32> to vector<256x4096xi32>
    %eq3A_74 = arith.cmpi eq, %iota3A, %eq3A_73 : vector<256x4096xi32>
    %jit3A_75 = arith.constant 0xFF800000 : f32
    %broadcast_in_dim3A_76 = vector.broadcast %jit3A_75 : f32 to vector<256x4096xf32>
    %select_n3A_77 = arith.select %eq3A_74, %broadcast_in_dim3A_76, %select_n3A_53 : vector<256x4096xi1>, vector<256x4096xf32>
    %reduce_max3A_78 = arith.constant dense<0xFF800000> : vector<256xf32>
    %reduce_max3A_79 = vector.multi_reduction <maximumf>, %select_n3A_77, %reduce_max3A_78 [1] : vector<256x4096xf32> to vector<256xf32>
    %broadcast_in_dim3A_80 = vector.shape_cast %reduce_max3A_79 : vector<256xf32> to vector<256x1xf32>
    %eq3A_81 = vector.broadcast %broadcast_in_dim3A_80 : vector<256x1xf32> to vector<256x4096xf32>
    %eq3A_82 = arith.cmpf oeq, %select_n3A_77, %eq3A_81 : vector<256x4096xf32>
    %jit3A_83 = arith.constant 4096 : i32
    %broadcast_in_dim3A_84 = vector.broadcast %jit3A_83 : i32 to vector<256x4096xi32>
    %select_n3A_85 = arith.select %eq3A_82, %iota3A, %broadcast_in_dim3A_84 : vector<256x4096xi1>, vector<256x4096xi32>
    %reduce_min3A_86 = arith.constant dense<2147483647> : vector<256xi32>
    %reduce_min3A_87 = vector.multi_reduction <minsi>, %select_n3A_85, %reduce_min3A_86 [1] : vector<256x4096xi32> to vector<256xi32>
    %broadcast_in_dim3A_88 = vector.shape_cast %reduce_min3A_87 : vector<256xi32> to vector<256x1xi32>
    %add3A_89 = vector.broadcast %mul3A_33 : i32 to vector<256x1xi32>
    %add3A_90 = arith.addi %broadcast_in_dim3A_88, %add3A_89 : vector<256x1xi32>
    %swap3A_91 = arith.constant 0 : index
    %swap3A_92 = arith.constant 0 : index
    %swap3A_93 = arith.constant 2 : index
    %swap3A_94 = vector.load %arg5[%swap3A_91, %swap3A_92, %swap3A_93] : memref<1x256x24xi32, #tpu.memory_space<vmem>>, vector<1x256x1xi32>
    %swap3A_95 = vector.shape_cast %swap3A_94 : vector<1x256x1xi32> to vector<256x1xi32>
    %swap3A_96 = vector.shape_cast %add3A_90 : vector<256x1xi32> to vector<1x256x1xi32>
    tpu.vector_store %arg5[%swap3A_91, %swap3A_92, %swap3A_93], %swap3A_96 {strides = array<i32>} : memref<1x256x24xi32, #tpu.memory_space<vmem>>, vector<1x256x1xi32>,
    %eq3A_97 = vector.broadcast %broadcast_in_dim3A_88 : vector<256x1xi32> to vector<256x4096xi32>
    %eq3A_98 = arith.cmpi eq, %iota3A, %eq3A_97 : vector<256x4096xi32>
    %jit3A_99 = arith.constant 0xFF800000 : f32
    %broadcast_in_dim3A_100 = vector.broadcast %jit3A_99 : f32 to vector<256x4096xf32>
    %select_n3A_101 = arith.select %eq3A_98, %broadcast_in_dim3A_100, %select_n3A_77 : vector<256x4096xi1>, vector<256x4096xf32>
    %reduce_max3A_102 = arith.constant dense<0xFF800000> : vector<256xf32>
    %reduce_max3A_103 = vector.multi_reduction <maximumf>, %select_n3A_101, %reduce_max3A_102 [1] : vector<256x4096xf32> to vector<256xf32>
    %broadcast_in_dim3A_104 = vector.shape_cast %reduce_max3A_103 : vector<256xf32> to vector<256x1xf32>
    %eq3A_105 = vector.broadcast %broadcast_in_dim3A_104 : vector<256x1xf32> to vector<256x4096xf32>
    %eq3A_106 = arith.cmpf oeq, %select_n3A_101, %eq3A_105 : vector<256x4096xf32>
    %jit3A_107 = arith.constant 4096 : i32
    %broadcast_in_dim3A_108 = vector.broadcast %jit3A_107 : i32 to vector<256x4096xi32>
    %select_n3A_109 = arith.select %eq3A_106, %iota3A, %broadcast_in_dim3A_108 : vector<256x4096xi1>, vector<256x4096xi32>
    %reduce_min3A_110 = arith.constant dense<2147483647> : vector<256xi32>
    %reduce_min3A_111 = vector.multi_reduction <minsi>, %select_n3A_109, %reduce_min3A_110 [1] : vector<256x4096xi32> to vector<256xi32>
    %broadcast_in_dim3A_112 = vector.shape_cast %reduce_min3A_111 : vector<256xi32> to vector<256x1xi32>
    %add3A_113 = vector.broadcast %mul3A_33 : i32 to vector<256x1xi32>
    %add3A_114 = arith.addi %broadcast_in_dim3A_112, %add3A_113 : vector<256x1xi32>
    %swap3A_115 = arith.constant 0 : index
    %swap3A_116 = arith.constant 0 : index
    %swap3A_117 = arith.constant 3 : index
    %swap3A_118 = vector.load %arg5[%swap3A_115, %swap3A_116, %swap3A_117] : memref<1x256x24xi32, #tpu.memory_space<vmem>>, vector<1x256x1xi32>
    %swap3A_119 = vector.shape_cast %swap3A_118 : vector<1x256x1xi32> to vector<256x1xi32>
    %swap3A_120 = vector.shape_cast %add3A_114 : vector<256x1xi32> to vector<1x256x1xi32>
    tpu.vector_store %arg5[%swap3A_115, %swap3A_116, %swap3A_117], %swap3A_120 {strides = array<i32>} : memref<1x256x24xi32, #tpu.memory_space<vmem>>, vector<1x256x1xi32>,
    %eq3A_121 = vector.broadcast %broadcast_in_dim3A_112 : vector<256x1xi32> to vector<256x4096xi32>
    %eq3A_122 = arith.cmpi eq, %iota3A, %eq3A_121 : vector<256x4096xi32>
    %jit3A_123 = arith.constant 0xFF800000 : f32
    %broadcast_in_dim3A_124 = vector.broadcast %jit3A_123 : f32 to vector<256x4096xf32>
    %select_n3A_125 = arith.select %eq3A_122, %broadcast_in_dim3A_124, %select_n3A_101 : vector<256x4096xi1>, vector<256x4096xf32>
    %reduce_max3A_126 = arith.constant dense<0xFF800000> : vector<256xf32>
    %reduce_max3A_127 = vector.multi_reduction <maximumf>, %select_n3A_125, %reduce_max3A_126 [1] : vector<256x4096xf32> to vector<256xf32>
    %broadcast_in_dim3A_128 = vector.shape_cast %reduce_max3A_127 : vector<256xf32> to vector<256x1xf32>
    %eq3A_129 = vector.broadcast %broadcast_in_dim3A_128 : vector<256x1xf32> to vector<256x4096xf32>
    %eq3A_130 = arith.cmpf oeq, %select_n3A_125, %eq3A_129 : vector<256x4096xf32>
    %jit3A_131 = arith.constant 4096 : i32
    %broadcast_in_dim3A_132 = vector.broadcast %jit3A_131 : i32 to vector<256x4096xi32>
    %select_n3A_133 = arith.select %eq3A_130, %iota3A, %broadcast_in_dim3A_132 : vector<256x4096xi1>, vector<256x4096xi32>
    %reduce_min3A_134 = arith.constant dense<2147483647> : vector<256xi32>
    %reduce_min3A_135 = vector.multi_reduction <minsi>, %select_n3A_133, %reduce_min3A_134 [1] : vector<256x4096xi32> to vector<256xi32>
    %broadcast_in_dim3A_136 = vector.shape_cast %reduce_min3A_135 : vector<256xi32> to vector<256x1xi32>
    %add3A_137 = vector.broadcast %mul3A_33 : i32 to vector<256x1xi32>
    %add3A_138 = arith.addi %broadcast_in_dim3A_136, %add3A_137 : vector<256x1xi32>
    %swap3A_139 = arith.constant 0 : index
    %swap3A_140 = arith.constant 0 : index
    %swap3A_141 = arith.constant 4 : index
    %swap3A_142 = vector.load %arg5[%swap3A_139, %swap3A_140, %swap3A_141] : memref<1x256x24xi32, #tpu.memory_space<vmem>>, vector<1x256x1xi32>
    %swap3A_143 = vector.shape_cast %swap3A_142 : vector<1x256x1xi32> to vector<256x1xi32>
    %swap3A_144 = vector.shape_cast %add3A_138 : vector<256x1xi32> to vector<1x256x1xi32>
    tpu.vector_store %arg5[%swap3A_139, %swap3A_140, %swap3A_141], %swap3A_144 {strides = array<i32>} : memref<1x256x24xi32, #tpu.memory_space<vmem>>, vector<1x256x1xi32>,
    %eq3A_145 = vector.broadcast %broadcast_in_dim3A_136 : vector<256x1xi32> to vector<256x4096xi32>
    %eq3A_146 = arith.cmpi eq, %iota3A, %eq3A_145 : vector<256x4096xi32>
    %jit3A_147 = arith.constant 0xFF800000 : f32
    %broadcast_in_dim3A_148 = vector.broadcast %jit3A_147 : f32 to vector<256x4096xf32>
    %select_n3A_149 = arith.select %eq3A_146, %broadcast_in_dim3A_148, %select_n3A_125 : vector<256x4096xi1>, vector<256x4096xf32>
    %reduce_max3A_150 = arith.constant dense<0xFF800000> : vector<256xf32>
    %reduce_max3A_151 = vector.multi_reduction <maximumf>, %select_n3A_149, %reduce_max3A_150 [1] : vector<256x4096xf32> to vector<256xf32>
    %broadcast_in_dim3A_152 = vector.shape_cast %reduce_max3A_151 : vector<256xf32> to vector<256x1xf32>
    %eq3A_153 = vector.broadcast %broadcast_in_dim3A_152 : vector<256x1xf32> to vector<256x4096xf32>
    %eq3A_154 = arith.cmpf oeq, %select_n3A_149, %eq3A_153 : vector<256x4096xf32>
    %jit3A_155 = arith.constant 4096 : i32
    %broadcast_in_dim3A_156 = vector.broadcast %jit3A_155 : i32 to vector<256x4096xi32>
    %select_n3A_157 = arith.select %eq3A_154, %iota3A, %broadcast_in_dim3A_156 : vector<256x4096xi1>, vector<256x4096xi32>
    %reduce_min3A_158 = arith.constant dense<2147483647> : vector<256xi32>
    %reduce_min3A_159 = vector.multi_reduction <minsi>, %select_n3A_157, %reduce_min3A_158 [1] : vector<256x4096xi32> to vector<256xi32>
    %broadcast_in_dim3A_160 = vector.shape_cast %reduce_min3A_159 : vector<256xi32> to vector<256x1xi32>
    %add3A_161 = vector.broadcast %mul3A_33 : i32 to vector<256x1xi32>
    %add3A_162 = arith.addi %broadcast_in_dim3A_160, %add3A_161 : vector<256x1xi32>
    %swap3A_163 = arith.constant 0 : index
    %swap3A_164 = arith.constant 0 : index
    %swap3A_165 = arith.constant 5 : index
    %swap3A_166 = vector.load %arg5[%swap3A_163, %swap3A_164, %swap3A_165] : memref<1x256x24xi32, #tpu.memory_space<vmem>>, vector<1x256x1xi32>
    %swap3A_167 = vector.shape_cast %swap3A_166 : vector<1x256x1xi32> to vector<256x1xi32>
    %swap3A_168 = vector.shape_cast %add3A_162 : vector<256x1xi32> to vector<1x256x1xi32>
    tpu.vector_store %arg5[%swap3A_163, %swap3A_164, %swap3A_165], %swap3A_168 {strides = array<i32>} : memref<1x256x24xi32, #tpu.memory_space<vmem>>, vector<1x256x1xi32>,
    %eq3A_169 = vector.broadcast %broadcast_in_dim3A_160 : vector<256x1xi32> to vector<256x4096xi32>
    %eq3A_170 = arith.cmpi eq, %iota3A, %eq3A_169 : vector<256x4096xi32>
    %jit3A_171 = arith.constant 0xFF800000 : f32
    %broadcast_in_dim3A_172 = vector.broadcast %jit3A_171 : f32 to vector<256x4096xf32>
    %select_n3A_173 = arith.select %eq3A_170, %broadcast_in_dim3A_172, %select_n3A_149 : vector<256x4096xi1>, vector<256x4096xf32>
    %reduce_max3A_174 = arith.constant dense<0xFF800000> : vector<256xf32>
    %reduce_max3A_175 = vector.multi_reduction <maximumf>, %select_n3A_173, %reduce_max3A_174 [1] : vector<256x4096xf32> to vector<256xf32>
    %broadcast_in_dim3A_176 = vector.shape_cast %reduce_max3A_175 : vector<256xf32> to vector<256x1xf32>
    %eq3A_177 = vector.broadcast %broadcast_in_dim3A_176 : vector<256x1xf32> to vector<256x4096xf32>
    %eq3A_178 = arith.cmpf oeq, %select_n3A_173, %eq3A_177 : vector<256x4096xf32>
    %jit3A_179 = arith.constant 4096 : i32
    %broadcast_in_dim3A_180 = vector.broadcast %jit3A_179 : i32 to vector<256x4096xi32>
    %select_n3A_181 = arith.select %eq3A_178, %iota3A, %broadcast_in_dim3A_180 : vector<256x4096xi1>, vector<256x4096xi32>
    %reduce_min3A_182 = arith.constant dense<2147483647> : vector<256xi32>
    %reduce_min3A_183 = vector.multi_reduction <minsi>, %select_n3A_181, %reduce_min3A_182 [1] : vector<256x4096xi32> to vector<256xi32>
    %broadcast_in_dim3A_184 = vector.shape_cast %reduce_min3A_183 : vector<256xi32> to vector<256x1xi32>
    %add3A_185 = vector.broadcast %mul3A_33 : i32 to vector<256x1xi32>
    %add3A_186 = arith.addi %broadcast_in_dim3A_184, %add3A_185 : vector<256x1xi32>
    %swap3A_187 = arith.constant 0 : index
    %swap3A_188 = arith.constant 0 : index
    %swap3A_189 = arith.constant 6 : index
    %swap3A_190 = vector.load %arg5[%swap3A_187, %swap3A_188, %swap3A_189] : memref<1x256x24xi32, #tpu.memory_space<vmem>>, vector<1x256x1xi32>
    %swap3A_191 = vector.shape_cast %swap3A_190 : vector<1x256x1xi32> to vector<256x1xi32>
    %swap3A_192 = vector.shape_cast %add3A_186 : vector<256x1xi32> to vector<1x256x1xi32>
    tpu.vector_store %arg5[%swap3A_187, %swap3A_188, %swap3A_189], %swap3A_192 {strides = array<i32>} : memref<1x256x24xi32, #tpu.memory_space<vmem>>, vector<1x256x1xi32>,
    %eq3A_193 = vector.broadcast %broadcast_in_dim3A_184 : vector<256x1xi32> to vector<256x4096xi32>
    %eq3A_194 = arith.cmpi eq, %iota3A, %eq3A_193 : vector<256x4096xi32>
    %jit3A_195 = arith.constant 0xFF800000 : f32
    %broadcast_in_dim3A_196 = vector.broadcast %jit3A_195 : f32 to vector<256x4096xf32>
    %select_n3A_197 = arith.select %eq3A_194, %broadcast_in_dim3A_196, %select_n3A_173 : vector<256x4096xi1>, vector<256x4096xf32>
    %reduce_max3A_198 = arith.constant dense<0xFF800000> : vector<256xf32>
    %reduce_max3A_199 = vector.multi_reduction <maximumf>, %select_n3A_197, %reduce_max3A_198 [1] : vector<256x4096xf32> to vector<256xf32>
    %broadcast_in_dim3A_200 = vector.shape_cast %reduce_max3A_199 : vector<256xf32> to vector<256x1xf32>
    %eq3A_201 = vector.broadcast %broadcast_in_dim3A_200 : vector<256x1xf32> to vector<256x4096xf32>
    %eq3A_202 = arith.cmpf oeq, %select_n3A_197, %eq3A_201 : vector<256x4096xf32>
    %jit3A_203 = arith.constant 4096 : i32
    %broadcast_in_dim3A_204 = vector.broadcast %jit3A_203 : i32 to vector<256x4096xi32>
    %select_n3A_205 = arith.select %eq3A_202, %iota3A, %broadcast_in_dim3A_204 : vector<256x4096xi1>, vector<256x4096xi32>
    %reduce_min3A_206 = arith.constant dense<2147483647> : vector<256xi32>
    %reduce_min3A_207 = vector.multi_reduction <minsi>, %select_n3A_205, %reduce_min3A_206 [1] : vector<256x4096xi32> to vector<256xi32>
    %broadcast_in_dim3A_208 = vector.shape_cast %reduce_min3A_207 : vector<256xi32> to vector<256x1xi32>
    %add3A_209 = vector.broadcast %mul3A_33 : i32 to vector<256x1xi32>
    %add3A_210 = arith.addi %broadcast_in_dim3A_208, %add3A_209 : vector<256x1xi32>
    %swap3A_211 = arith.constant 0 : index
    %swap3A_212 = arith.constant 0 : index
    %swap3A_213 = arith.constant 7 : index
    %swap3A_214 = vector.load %arg5[%swap3A_211, %swap3A_212, %swap3A_213] : memref<1x256x24xi32, #tpu.memory_space<vmem>>, vector<1x256x1xi32>
    %swap3A_215 = vector.shape_cast %swap3A_214 : vector<1x256x1xi32> to vector<256x1xi32>
    %swap3A_216 = vector.shape_cast %add3A_210 : vector<256x1xi32> to vector<1x256x1xi32>
    tpu.vector_store %arg5[%swap3A_211, %swap3A_212, %swap3A_213], %swap3A_216 {strides = array<i32>} : memref<1x256x24xi32, #tpu.memory_space<vmem>>, vector<1x256x1xi32>,
    %eq3A_217 = vector.broadcast %broadcast_in_dim3A_208 : vector<256x1xi32> to vector<256x4096xi32>
    %eq3A_218 = arith.cmpi eq, %iota3A, %eq3A_217 : vector<256x4096xi32>
    %jit3A_219 = arith.constant 0xFF800000 : f32
    %broadcast_in_dim3A_220 = vector.broadcast %jit3A_219 : f32 to vector<256x4096xf32>
    %select_n3A_221 = arith.select %eq3A_218, %broadcast_in_dim3A_220, %select_n3A_197 : vector<256x4096xi1>, vector<256x4096xf32>
    %reduce_max3A_222 = arith.constant dense<0xFF800000> : vector<256xf32>
    %reduce_max3A_223 = vector.multi_reduction <maximumf>, %select_n3A_221, %reduce_max3A_222 [1] : vector<256x4096xf32> to vector<256xf32>
    %broadcast_in_dim3A_224 = vector.shape_cast %reduce_max3A_223 : vector<256xf32> to vector<256x1xf32>
    %eq3A_225 = vector.broadcast %broadcast_in_dim3A_224 : vector<256x1xf32> to vector<256x4096xf32>
    %eq3A_226 = arith.cmpf oeq, %select_n3A_221, %eq3A_225 : vector<256x4096xf32>
    %jit3A_227 = arith.constant 4096 : i32
    %broadcast_in_dim3A_228 = vector.broadcast %jit3A_227 : i32 to vector<256x4096xi32>
    %select_n3A_229 = arith.select %eq3A_226, %iota3A, %broadcast_in_dim3A_228 : vector<256x4096xi1>, vector<256x4096xi32>
    %reduce_min3A_230 = arith.constant dense<2147483647> : vector<256xi32>
    %reduce_min3A_231 = vector.multi_reduction <minsi>, %select_n3A_229, %reduce_min3A_230 [1] : vector<256x4096xi32> to vector<256xi32>
    %broadcast_in_dim3A_232 = vector.shape_cast %reduce_min3A_231 : vector<256xi32> to vector<256x1xi32>
    %add3A_233 = vector.broadcast %mul3A_33 : i32 to vector<256x1xi32>
    %add3A_234 = arith.addi %broadcast_in_dim3A_232, %add3A_233 : vector<256x1xi32>
    %swap3A_235 = arith.constant 0 : index
    %swap3A_236 = arith.constant 0 : index
    %swap3A_237 = arith.constant 8 : index
    %swap3A_238 = vector.load %arg5[%swap3A_235, %swap3A_236, %swap3A_237] : memref<1x256x24xi32, #tpu.memory_space<vmem>>, vector<1x256x1xi32>
    %swap3A_239 = vector.shape_cast %swap3A_238 : vector<1x256x1xi32> to vector<256x1xi32>
    %swap3A_240 = vector.shape_cast %add3A_234 : vector<256x1xi32> to vector<1x256x1xi32>
    tpu.vector_store %arg5[%swap3A_235, %swap3A_236, %swap3A_237], %swap3A_240 {strides = array<i32>} : memref<1x256x24xi32, #tpu.memory_space<vmem>>, vector<1x256x1xi32>,
    %eq3A_241 = vector.broadcast %broadcast_in_dim3A_232 : vector<256x1xi32> to vector<256x4096xi32>
    %eq3A_242 = arith.cmpi eq, %iota3A, %eq3A_241 : vector<256x4096xi32>
    %jit3A_243 = arith.constant 0xFF800000 : f32
    %broadcast_in_dim3A_244 = vector.broadcast %jit3A_243 : f32 to vector<256x4096xf32>
    %select_n3A_245 = arith.select %eq3A_242, %broadcast_in_dim3A_244, %select_n3A_221 : vector<256x4096xi1>, vector<256x4096xf32>
    %reduce_max3A_246 = arith.constant dense<0xFF800000> : vector<256xf32>
    %reduce_max3A_247 = vector.multi_reduction <maximumf>, %select_n3A_245, %reduce_max3A_246 [1] : vector<256x4096xf32> to vector<256xf32>
    %broadcast_in_dim3A_248 = vector.shape_cast %reduce_max3A_247 : vector<256xf32> to vector<256x1xf32>
    %eq3A_249 = vector.broadcast %broadcast_in_dim3A_248 : vector<256x1xf32> to vector<256x4096xf32>
    %eq3A_250 = arith.cmpf oeq, %select_n3A_245, %eq3A_249 : vector<256x4096xf32>
    %jit3A_251 = arith.constant 4096 : i32
    %broadcast_in_dim3A_252 = vector.broadcast %jit3A_251 : i32 to vector<256x4096xi32>
    %select_n3A_253 = arith.select %eq3A_250, %iota3A, %broadcast_in_dim3A_252 : vector<256x4096xi1>, vector<256x4096xi32>
    %reduce_min3A_254 = arith.constant dense<2147483647> : vector<256xi32>
    %reduce_min3A_255 = vector.multi_reduction <minsi>, %select_n3A_253, %reduce_min3A_254 [1] : vector<256x4096xi32> to vector<256xi32>
    %broadcast_in_dim3A_256 = vector.shape_cast %reduce_min3A_255 : vector<256xi32> to vector<256x1xi32>
    %add3A_257 = vector.broadcast %mul3A_33 : i32 to vector<256x1xi32>
    %add3A_258 = arith.addi %broadcast_in_dim3A_256, %add3A_257 : vector<256x1xi32>
    %swap3A_259 = arith.constant 0 : index
    %swap3A_260 = arith.constant 0 : index
    %swap3A_261 = arith.constant 9 : index
    %swap3A_262 = vector.load %arg5[%swap3A_259, %swap3A_260, %swap3A_261] : memref<1x256x24xi32, #tpu.memory_space<vmem>>, vector<1x256x1xi32>
    %swap3A_263 = vector.shape_cast %swap3A_262 : vector<1x256x1xi32> to vector<256x1xi32>
    %swap3A_264 = vector.shape_cast %add3A_258 : vector<256x1xi32> to vector<1x256x1xi32>
    tpu.vector_store %arg5[%swap3A_259, %swap3A_260, %swap3A_261], %swap3A_264 {strides = array<i32>} : memref<1x256x24xi32, #tpu.memory_space<vmem>>, vector<1x256x1xi32>,
    %eq3A_265 = vector.broadcast %broadcast_in_dim3A_256 : vector<256x1xi32> to vector<256x4096xi32>
    %eq3A_266 = arith.cmpi eq, %iota3A, %eq3A_265 : vector<256x4096xi32>
    %jit3A_267 = arith.constant 0xFF800000 : f32
    %broadcast_in_dim3A_268 = vector.broadcast %jit3A_267 : f32 to vector<256x4096xf32>
    %select_n3A_269 = arith.select %eq3A_266, %broadcast_in_dim3A_268, %select_n3A_245 : vector<256x4096xi1>, vector<256x4096xf32>
    %reduce_max3A_270 = arith.constant dense<0xFF800000> : vector<256xf32>
    %reduce_max3A_271 = vector.multi_reduction <maximumf>, %select_n3A_269, %reduce_max3A_270 [1] : vector<256x4096xf32> to vector<256xf32>
    %broadcast_in_dim3A_272 = vector.shape_cast %reduce_max3A_271 : vector<256xf32> to vector<256x1xf32>
    %eq3A_273 = vector.broadcast %broadcast_in_dim3A_272 : vector<256x1xf32> to vector<256x4096xf32>
    %eq3A_274 = arith.cmpf oeq, %select_n3A_269, %eq3A_273 : vector<256x4096xf32>
    %jit3A_275 = arith.constant 4096 : i32
    %broadcast_in_dim3A_276 = vector.broadcast %jit3A_275 : i32 to vector<256x4096xi32>
    %select_n3A_277 = arith.select %eq3A_274, %iota3A, %broadcast_in_dim3A_276 : vector<256x4096xi1>, vector<256x4096xi32>
    %reduce_min3A_278 = arith.constant dense<2147483647> : vector<256xi32>
    %reduce_min3A_279 = vector.multi_reduction <minsi>, %select_n3A_277, %reduce_min3A_278 [1] : vector<256x4096xi32> to vector<256xi32>
    %broadcast_in_dim3A_280 = vector.shape_cast %reduce_min3A_279 : vector<256xi32> to vector<256x1xi32>
    %add3A_281 = vector.broadcast %mul3A_33 : i32 to vector<256x1xi32>
    %add3A_282 = arith.addi %broadcast_in_dim3A_280, %add3A_281 : vector<256x1xi32>
    %swap3A_283 = arith.constant 0 : index
    %swap3A_284 = arith.constant 0 : index
    %swap3A_285 = arith.constant 10 : index
    %swap3A_286 = vector.load %arg5[%swap3A_283, %swap3A_284, %swap3A_285] : memref<1x256x24xi32, #tpu.memory_space<vmem>>, vector<1x256x1xi32>
    %swap3A_287 = vector.shape_cast %swap3A_286 : vector<1x256x1xi32> to vector<256x1xi32>
    %swap3A_288 = vector.shape_cast %add3A_282 : vector<256x1xi32> to vector<1x256x1xi32>
    tpu.vector_store %arg5[%swap3A_283, %swap3A_284, %swap3A_285], %swap3A_288 {strides = array<i32>} : memref<1x256x24xi32, #tpu.memory_space<vmem>>, vector<1x256x1xi32>,
    %eq3A_289 = vector.broadcast %broadcast_in_dim3A_280 : vector<256x1xi32> to vector<256x4096xi32>
    %eq3A_290 = arith.cmpi eq, %iota3A, %eq3A_289 : vector<256x4096xi32>
    %jit3A_291 = arith.constant 0xFF800000 : f32
    %broadcast_in_dim3A_292 = vector.broadcast %jit3A_291 : f32 to vector<256x4096xf32>
    %select_n3A_293 = arith.select %eq3A_290, %broadcast_in_dim3A_292, %select_n3A_269 : vector<256x4096xi1>, vector<256x4096xf32>
    %reduce_max3A_294 = arith.constant dense<0xFF800000> : vector<256xf32>
    %reduce_max3A_295 = vector.multi_reduction <maximumf>, %select_n3A_293, %reduce_max3A_294 [1] : vector<256x4096xf32> to vector<256xf32>
    %broadcast_in_dim3A_296 = vector.shape_cast %reduce_max3A_295 : vector<256xf32> to vector<256x1xf32>
    %eq3A_297 = vector.broadcast %broadcast_in_dim3A_296 : vector<256x1xf32> to vector<256x4096xf32>
    %eq3A_298 = arith.cmpf oeq, %select_n3A_293, %eq3A_297 : vector<256x4096xf32>
    %jit3A_299 = arith.constant 4096 : i32
    %broadcast_in_dim3A_300 = vector.broadcast %jit3A_299 : i32 to vector<256x4096xi32>
    %select_n3A_301 = arith.select %eq3A_298, %iota3A, %broadcast_in_dim3A_300 : vector<256x4096xi1>, vector<256x4096xi32>
    %reduce_min3A_302 = arith.constant dense<2147483647> : vector<256xi32>
    %reduce_min3A_303 = vector.multi_reduction <minsi>, %select_n3A_301, %reduce_min3A_302 [1] : vector<256x4096xi32> to vector<256xi32>
    %broadcast_in_dim3A_304 = vector.shape_cast %reduce_min3A_303 : vector<256xi32> to vector<256x1xi32>
    %add3A_305 = vector.broadcast %mul3A_33 : i32 to vector<256x1xi32>
    %add3A_306 = arith.addi %broadcast_in_dim3A_304, %add3A_305 : vector<256x1xi32>
    %swap3A_307 = arith.constant 0 : index
    %swap3A_308 = arith.constant 0 : index
    %swap3A_309 = arith.constant 11 : index
    %swap3A_310 = vector.load %arg5[%swap3A_307, %swap3A_308, %swap3A_309] : memref<1x256x24xi32, #tpu.memory_space<vmem>>, vector<1x256x1xi32>
    %swap3A_311 = vector.shape_cast %swap3A_310 : vector<1x256x1xi32> to vector<256x1xi32>
    %swap3A_312 = vector.shape_cast %add3A_306 : vector<256x1xi32> to vector<1x256x1xi32>
    tpu.vector_store %arg5[%swap3A_307, %swap3A_308, %swap3A_309], %swap3A_312 {strides = array<i32>} : memref<1x256x24xi32, #tpu.memory_space<vmem>>, vector<1x256x1xi32>,
    %eq3A_313 = vector.broadcast %broadcast_in_dim3A_304 : vector<256x1xi32> to vector<256x4096xi32>
    %eq3A_314 = arith.cmpi eq, %iota3A, %eq3A_313 : vector<256x4096xi32>
    %jit3A_315 = arith.constant 0xFF800000 : f32
    %broadcast_in_dim3A_316 = vector.broadcast %jit3A_315 : f32 to vector<256x4096xf32>
    %select_n3A_317 = arith.select %eq3A_314, %broadcast_in_dim3A_316, %select_n3A_293 : vector<256x4096xi1>, vector<256x4096xf32>
    %reduce_max3A_318 = arith.constant dense<0xFF800000> : vector<256xf32>
    %reduce_max3A_319 = vector.multi_reduction <maximumf>, %select_n3A_317, %reduce_max3A_318 [1] : vector<256x4096xf32> to vector<256xf32>
    %broadcast_in_dim3A_320 = vector.shape_cast %reduce_max3A_319 : vector<256xf32> to vector<256x1xf32>
    %eq3A_321 = vector.broadcast %broadcast_in_dim3A_320 : vector<256x1xf32> to vector<256x4096xf32>
    %eq3A_322 = arith.cmpf oeq, %select_n3A_317, %eq3A_321 : vector<256x4096xf32>
    %jit3A_323 = arith.constant 4096 : i32
    %broadcast_in_dim3A_324 = vector.broadcast %jit3A_323 : i32 to vector<256x4096xi32>
    %select_n3A_325 = arith.select %eq3A_322, %iota3A, %broadcast_in_dim3A_324 : vector<256x4096xi1>, vector<256x4096xi32>
    %reduce_min3A_326 = arith.constant dense<2147483647> : vector<256xi32>
    %reduce_min3A_327 = vector.multi_reduction <minsi>, %select_n3A_325, %reduce_min3A_326 [1] : vector<256x4096xi32> to vector<256xi32>
    %broadcast_in_dim3A_328 = vector.shape_cast %reduce_min3A_327 : vector<256xi32> to vector<256x1xi32>
    %add3A_329 = vector.broadcast %mul3A_33 : i32 to vector<256x1xi32>
    %add3A_330 = arith.addi %broadcast_in_dim3A_328, %add3A_329 : vector<256x1xi32>
    %swap3A_331 = arith.constant 0 : index
    %swap3A_332 = arith.constant 0 : index
    %swap3A_333 = arith.constant 12 : index
    %swap3A_334 = vector.load %arg5[%swap3A_331, %swap3A_332, %swap3A_333] : memref<1x256x24xi32, #tpu.memory_space<vmem>>, vector<1x256x1xi32>
    %swap3A_335 = vector.shape_cast %swap3A_334 : vector<1x256x1xi32> to vector<256x1xi32>
    %swap3A_336 = vector.shape_cast %add3A_330 : vector<256x1xi32> to vector<1x256x1xi32>
    tpu.vector_store %arg5[%swap3A_331, %swap3A_332, %swap3A_333], %swap3A_336 {strides = array<i32>} : memref<1x256x24xi32, #tpu.memory_space<vmem>>, vector<1x256x1xi32>,
    %eq3A_337 = vector.broadcast %broadcast_in_dim3A_328 : vector<256x1xi32> to vector<256x4096xi32>
    %eq3A_338 = arith.cmpi eq, %iota3A, %eq3A_337 : vector<256x4096xi32>
    %jit3A_339 = arith.constant 0xFF800000 : f32
    %broadcast_in_dim3A_340 = vector.broadcast %jit3A_339 : f32 to vector<256x4096xf32>
    %select_n3A_341 = arith.select %eq3A_338, %broadcast_in_dim3A_340, %select_n3A_317 : vector<256x4096xi1>, vector<256x4096xf32>
    %reduce_max3A_342 = arith.constant dense<0xFF800000> : vector<256xf32>
    %reduce_max3A_343 = vector.multi_reduction <maximumf>, %select_n3A_341, %reduce_max3A_342 [1] : vector<256x4096xf32> to vector<256xf32>
    %broadcast_in_dim3A_344 = vector.shape_cast %reduce_max3A_343 : vector<256xf32> to vector<256x1xf32>
    %eq3A_345 = vector.broadcast %broadcast_in_dim3A_344 : vector<256x1xf32> to vector<256x4096xf32>
    %eq3A_346 = arith.cmpf oeq, %select_n3A_341, %eq3A_345 : vector<256x4096xf32>
    %jit3A_347 = arith.constant 4096 : i32
    %broadcast_in_dim3A_348 = vector.broadcast %jit3A_347 : i32 to vector<256x4096xi32>
    %select_n3A_349 = arith.select %eq3A_346, %iota3A, %broadcast_in_dim3A_348 : vector<256x4096xi1>, vector<256x4096xi32>
    %reduce_min3A_350 = arith.constant dense<2147483647> : vector<256xi32>
    %reduce_min3A_351 = vector.multi_reduction <minsi>, %select_n3A_349, %reduce_min3A_350 [1] : vector<256x4096xi32> to vector<256xi32>
    %broadcast_in_dim3A_352 = vector.shape_cast %reduce_min3A_351 : vector<256xi32> to vector<256x1xi32>
    %add3A_353 = vector.broadcast %mul3A_33 : i32 to vector<256x1xi32>
    %add3A_354 = arith.addi %broadcast_in_dim3A_352, %add3A_353 : vector<256x1xi32>
    %swap3A_355 = arith.constant 0 : index
    %swap3A_356 = arith.constant 0 : index
    %swap3A_357 = arith.constant 13 : index
    %swap3A_358 = vector.load %arg5[%swap3A_355, %swap3A_356, %swap3A_357] : memref<1x256x24xi32, #tpu.memory_space<vmem>>, vector<1x256x1xi32>
    %swap3A_359 = vector.shape_cast %swap3A_358 : vector<1x256x1xi32> to vector<256x1xi32>
    %swap3A_360 = vector.shape_cast %add3A_354 : vector<256x1xi32> to vector<1x256x1xi32>
    tpu.vector_store %arg5[%swap3A_355, %swap3A_356, %swap3A_357], %swap3A_360 {strides = array<i32>} : memref<1x256x24xi32, #tpu.memory_space<vmem>>, vector<1x256x1xi32>,
    %eq3A_361 = vector.broadcast %broadcast_in_dim3A_352 : vector<256x1xi32> to vector<256x4096xi32>
    %eq3A_362 = arith.cmpi eq, %iota3A, %eq3A_361 : vector<256x4096xi32>
    %jit3A_363 = arith.constant 0xFF800000 : f32
    %broadcast_in_dim3A_364 = vector.broadcast %jit3A_363 : f32 to vector<256x4096xf32>
    %select_n3A_365 = arith.select %eq3A_362, %broadcast_in_dim3A_364, %select_n3A_341 : vector<256x4096xi1>, vector<256x4096xf32>
    %reduce_max3A_366 = arith.constant dense<0xFF800000> : vector<256xf32>
    %reduce_max3A_367 = vector.multi_reduction <maximumf>, %select_n3A_365, %reduce_max3A_366 [1] : vector<256x4096xf32> to vector<256xf32>
    %broadcast_in_dim3A_368 = vector.shape_cast %reduce_max3A_367 : vector<256xf32> to vector<256x1xf32>
    %eq3A_369 = vector.broadcast %broadcast_in_dim3A_368 : vector<256x1xf32> to vector<256x4096xf32>
    %eq3A_370 = arith.cmpf oeq, %select_n3A_365, %eq3A_369 : vector<256x4096xf32>
    %jit3A_371 = arith.constant 4096 : i32
    %broadcast_in_dim3A_372 = vector.broadcast %jit3A_371 : i32 to vector<256x4096xi32>
    %select_n3A_373 = arith.select %eq3A_370, %iota3A, %broadcast_in_dim3A_372 : vector<256x4096xi1>, vector<256x4096xi32>
    %reduce_min3A_374 = arith.constant dense<2147483647> : vector<256xi32>
    %reduce_min3A_375 = vector.multi_reduction <minsi>, %select_n3A_373, %reduce_min3A_374 [1] : vector<256x4096xi32> to vector<256xi32>
    %broadcast_in_dim3A_376 = vector.shape_cast %reduce_min3A_375 : vector<256xi32> to vector<256x1xi32>
    %add3A_377 = vector.broadcast %mul3A_33 : i32 to vector<256x1xi32>
    %add3A_378 = arith.addi %broadcast_in_dim3A_376, %add3A_377 : vector<256x1xi32>
    %swap3A_379 = arith.constant 0 : index
    %swap3A_380 = arith.constant 0 : index
    %swap3A_381 = arith.constant 14 : index
    %swap3A_382 = vector.load %arg5[%swap3A_379, %swap3A_380, %swap3A_381] : memref<1x256x24xi32, #tpu.memory_space<vmem>>, vector<1x256x1xi32>
    %swap3A_383 = vector.shape_cast %swap3A_382 : vector<1x256x1xi32> to vector<256x1xi32>
    %swap3A_384 = vector.shape_cast %add3A_378 : vector<256x1xi32> to vector<1x256x1xi32>
    tpu.vector_store %arg5[%swap3A_379, %swap3A_380, %swap3A_381], %swap3A_384 {strides = array<i32>} : memref<1x256x24xi32, #tpu.memory_space<vmem>>, vector<1x256x1xi32>,
    %eq3A_385 = vector.broadcast %broadcast_in_dim3A_376 : vector<256x1xi32> to vector<256x4096xi32>
    %eq3A_386 = arith.cmpi eq, %iota3A, %eq3A_385 : vector<256x4096xi32>
    %jit3A_387 = arith.constant 0xFF800000 : f32
    %broadcast_in_dim3A_388 = vector.broadcast %jit3A_387 : f32 to vector<256x4096xf32>
    %select_n3A_389 = arith.select %eq3A_386, %broadcast_in_dim3A_388, %select_n3A_365 : vector<256x4096xi1>, vector<256x4096xf32>
    %reduce_max3A_390 = arith.constant dense<0xFF800000> : vector<256xf32>
    %reduce_max3A_391 = vector.multi_reduction <maximumf>, %select_n3A_389, %reduce_max3A_390 [1] : vector<256x4096xf32> to vector<256xf32>
    %broadcast_in_dim3A_392 = vector.shape_cast %reduce_max3A_391 : vector<256xf32> to vector<256x1xf32>
    %eq3A_393 = vector.broadcast %broadcast_in_dim3A_392 : vector<256x1xf32> to vector<256x4096xf32>
    %eq3A_394 = arith.cmpf oeq, %select_n3A_389, %eq3A_393 : vector<256x4096xf32>
    %jit3A_395 = arith.constant 4096 : i32
    %broadcast_in_dim3A_396 = vector.broadcast %jit3A_395 : i32 to vector<256x4096xi32>
    %select_n3A_397 = arith.select %eq3A_394, %iota3A, %broadcast_in_dim3A_396 : vector<256x4096xi1>, vector<256x4096xi32>
    %reduce_min3A_398 = arith.constant dense<2147483647> : vector<256xi32>
    %reduce_min3A_399 = vector.multi_reduction <minsi>, %select_n3A_397, %reduce_min3A_398 [1] : vector<256x4096xi32> to vector<256xi32>
    %broadcast_in_dim3A_400 = vector.shape_cast %reduce_min3A_399 : vector<256xi32> to vector<256x1xi32>
    %add3A_401 = vector.broadcast %mul3A_33 : i32 to vector<256x1xi32>
    %add3A_402 = arith.addi %broadcast_in_dim3A_400, %add3A_401 : vector<256x1xi32>
    %swap3A_403 = arith.constant 0 : index
    %swap3A_404 = arith.constant 0 : index
    %swap3A_405 = arith.constant 15 : index
    %swap3A_406 = vector.load %arg5[%swap3A_403, %swap3A_404, %swap3A_405] : memref<1x256x24xi32, #tpu.memory_space<vmem>>, vector<1x256x1xi32>
    %swap3A_407 = vector.shape_cast %swap3A_406 : vector<1x256x1xi32> to vector<256x1xi32>
    %swap3A_408 = vector.shape_cast %add3A_402 : vector<256x1xi32> to vector<1x256x1xi32>
    tpu.vector_store %arg5[%swap3A_403, %swap3A_404, %swap3A_405], %swap3A_408 {strides = array<i32>} : memref<1x256x24xi32, #tpu.memory_space<vmem>>, vector<1x256x1xi32>,
    %eq3A_409 = vector.broadcast %broadcast_in_dim3A_400 : vector<256x1xi32> to vector<256x4096xi32>
    %eq3A_410 = arith.cmpi eq, %iota3A, %eq3A_409 : vector<256x4096xi32>
    %jit3A_411 = arith.constant 0xFF800000 : f32
    %broadcast_in_dim3A_412 = vector.broadcast %jit3A_411 : f32 to vector<256x4096xf32>
    %select_n3A_413 = arith.select %eq3A_410, %broadcast_in_dim3A_412, %select_n3A_389 : vector<256x4096xi1>, vector<256x4096xf32>
    %reduce_max3A_414 = arith.constant dense<0xFF800000> : vector<256xf32>
    %reduce_max3A_415 = vector.multi_reduction <maximumf>, %select_n3A_413, %reduce_max3A_414 [1] : vector<256x4096xf32> to vector<256xf32>
    %broadcast_in_dim3A_416 = vector.shape_cast %reduce_max3A_415 : vector<256xf32> to vector<256x1xf32>
    %eq3A_417 = vector.broadcast %broadcast_in_dim3A_416 : vector<256x1xf32> to vector<256x4096xf32>
    %eq3A_418 = arith.cmpf oeq, %select_n3A_413, %eq3A_417 : vector<256x4096xf32>
    %jit3A_419 = arith.constant 4096 : i32
    %broadcast_in_dim3A_420 = vector.broadcast %jit3A_419 : i32 to vector<256x4096xi32>
    %select_n3A_421 = arith.select %eq3A_418, %iota3A, %broadcast_in_dim3A_420 : vector<256x4096xi1>, vector<256x4096xi32>
    %reduce_min3A_422 = arith.constant dense<2147483647> : vector<256xi32>
    %reduce_min3A_423 = vector.multi_reduction <minsi>, %select_n3A_421, %reduce_min3A_422 [1] : vector<256x4096xi32> to vector<256xi32>
    %broadcast_in_dim3A_424 = vector.shape_cast %reduce_min3A_423 : vector<256xi32> to vector<256x1xi32>
    %add3A_425 = vector.broadcast %mul3A_33 : i32 to vector<256x1xi32>
    %add3A_426 = arith.addi %broadcast_in_dim3A_424, %add3A_425 : vector<256x1xi32>
    %swap3A_427 = arith.constant 0 : index
    %swap3A_428 = arith.constant 0 : index
    %swap3A_429 = arith.constant 16 : index
    %swap3A_430 = vector.load %arg5[%swap3A_427, %swap3A_428, %swap3A_429] : memref<1x256x24xi32, #tpu.memory_space<vmem>>, vector<1x256x1xi32>
    %swap3A_431 = vector.shape_cast %swap3A_430 : vector<1x256x1xi32> to vector<256x1xi32>
    %swap3A_432 = vector.shape_cast %add3A_426 : vector<256x1xi32> to vector<1x256x1xi32>
    tpu.vector_store %arg5[%swap3A_427, %swap3A_428, %swap3A_429], %swap3A_432 {strides = array<i32>} : memref<1x256x24xi32, #tpu.memory_space<vmem>>, vector<1x256x1xi32>,
    %eq3A_433 = vector.broadcast %broadcast_in_dim3A_424 : vector<256x1xi32> to vector<256x4096xi32>
    %eq3A_434 = arith.cmpi eq, %iota3A, %eq3A_433 : vector<256x4096xi32>
    %jit3A_435 = arith.constant 0xFF800000 : f32
    %broadcast_in_dim3A_436 = vector.broadcast %jit3A_435 : f32 to vector<256x4096xf32>
    %select_n3A_437 = arith.select %eq3A_434, %broadcast_in_dim3A_436, %select_n3A_413 : vector<256x4096xi1>, vector<256x4096xf32>
    %reduce_max3A_438 = arith.constant dense<0xFF800000> : vector<256xf32>
    %reduce_max3A_439 = vector.multi_reduction <maximumf>, %select_n3A_437, %reduce_max3A_438 [1] : vector<256x4096xf32> to vector<256xf32>
    %broadcast_in_dim3A_440 = vector.shape_cast %reduce_max3A_439 : vector<256xf32> to vector<256x1xf32>
    %eq3A_441 = vector.broadcast %broadcast_in_dim3A_440 : vector<256x1xf32> to vector<256x4096xf32>
    %eq3A_442 = arith.cmpf oeq, %select_n3A_437, %eq3A_441 : vector<256x4096xf32>
    %jit3A_443 = arith.constant 4096 : i32
    %broadcast_in_dim3A_444 = vector.broadcast %jit3A_443 : i32 to vector<256x4096xi32>
    %select_n3A_445 = arith.select %eq3A_442, %iota3A, %broadcast_in_dim3A_444 : vector<256x4096xi1>, vector<256x4096xi32>
    %reduce_min3A_446 = arith.constant dense<2147483647> : vector<256xi32>
    %reduce_min3A_447 = vector.multi_reduction <minsi>, %select_n3A_445, %reduce_min3A_446 [1] : vector<256x4096xi32> to vector<256xi32>
    %broadcast_in_dim3A_448 = vector.shape_cast %reduce_min3A_447 : vector<256xi32> to vector<256x1xi32>
    %add3A_449 = vector.broadcast %mul3A_33 : i32 to vector<256x1xi32>
    %add3A_450 = arith.addi %broadcast_in_dim3A_448, %add3A_449 : vector<256x1xi32>
    %swap3A_451 = arith.constant 0 : index
    %swap3A_452 = arith.constant 0 : index
    %swap3A_453 = arith.constant 17 : index
    %swap3A_454 = vector.load %arg5[%swap3A_451, %swap3A_452, %swap3A_453] : memref<1x256x24xi32, #tpu.memory_space<vmem>>, vector<1x256x1xi32>
    %swap3A_455 = vector.shape_cast %swap3A_454 : vector<1x256x1xi32> to vector<256x1xi32>
    %swap3A_456 = vector.shape_cast %add3A_450 : vector<256x1xi32> to vector<1x256x1xi32>
    tpu.vector_store %arg5[%swap3A_451, %swap3A_452, %swap3A_453], %swap3A_456 {strides = array<i32>} : memref<1x256x24xi32, #tpu.memory_space<vmem>>, vector<1x256x1xi32>,
    %eq3A_457 = vector.broadcast %broadcast_in_dim3A_448 : vector<256x1xi32> to vector<256x4096xi32>
    %eq3A_458 = arith.cmpi eq, %iota3A, %eq3A_457 : vector<256x4096xi32>
    %jit3A_459 = arith.constant 0xFF800000 : f32
    %broadcast_in_dim3A_460 = vector.broadcast %jit3A_459 : f32 to vector<256x4096xf32>
    %select_n3A_461 = arith.select %eq3A_458, %broadcast_in_dim3A_460, %select_n3A_437 : vector<256x4096xi1>, vector<256x4096xf32>
    %reduce_max3A_462 = arith.constant dense<0xFF800000> : vector<256xf32>
    %reduce_max3A_463 = vector.multi_reduction <maximumf>, %select_n3A_461, %reduce_max3A_462 [1] : vector<256x4096xf32> to vector<256xf32>
    %broadcast_in_dim3A_464 = vector.shape_cast %reduce_max3A_463 : vector<256xf32> to vector<256x1xf32>
    %eq3A_465 = vector.broadcast %broadcast_in_dim3A_464 : vector<256x1xf32> to vector<256x4096xf32>
    %eq3A_466 = arith.cmpf oeq, %select_n3A_461, %eq3A_465 : vector<256x4096xf32>
    %jit3A_467 = arith.constant 4096 : i32
    %broadcast_in_dim3A_468 = vector.broadcast %jit3A_467 : i32 to vector<256x4096xi32>
    %select_n3A_469 = arith.select %eq3A_466, %iota3A, %broadcast_in_dim3A_468 : vector<256x4096xi1>, vector<256x4096xi32>
    %reduce_min3A_470 = arith.constant dense<2147483647> : vector<256xi32>
    %reduce_min3A_471 = vector.multi_reduction <minsi>, %select_n3A_469, %reduce_min3A_470 [1] : vector<256x4096xi32> to vector<256xi32>
    %broadcast_in_dim3A_472 = vector.shape_cast %reduce_min3A_471 : vector<256xi32> to vector<256x1xi32>
    %add3A_473 = vector.broadcast %mul3A_33 : i32 to vector<256x1xi32>
    %add3A_474 = arith.addi %broadcast_in_dim3A_472, %add3A_473 : vector<256x1xi32>
    %swap3A_475 = arith.constant 0 : index
    %swap3A_476 = arith.constant 0 : index
    %swap3A_477 = arith.constant 18 : index
    %swap3A_478 = vector.load %arg5[%swap3A_475, %swap3A_476, %swap3A_477] : memref<1x256x24xi32, #tpu.memory_space<vmem>>, vector<1x256x1xi32>
    %swap3A_479 = vector.shape_cast %swap3A_478 : vector<1x256x1xi32> to vector<256x1xi32>
    %swap3A_480 = vector.shape_cast %add3A_474 : vector<256x1xi32> to vector<1x256x1xi32>
    tpu.vector_store %arg5[%swap3A_475, %swap3A_476, %swap3A_477], %swap3A_480 {strides = array<i32>} : memref<1x256x24xi32, #tpu.memory_space<vmem>>, vector<1x256x1xi32>,
    %eq3A_481 = vector.broadcast %broadcast_in_dim3A_472 : vector<256x1xi32> to vector<256x4096xi32>
    %eq3A_482 = arith.cmpi eq, %iota3A, %eq3A_481 : vector<256x4096xi32>
    %jit3A_483 = arith.constant 0xFF800000 : f32
    %broadcast_in_dim3A_484 = vector.broadcast %jit3A_483 : f32 to vector<256x4096xf32>
    %select_n3A_485 = arith.select %eq3A_482, %broadcast_in_dim3A_484, %select_n3A_461 : vector<256x4096xi1>, vector<256x4096xf32>
    %reduce_max3A_486 = arith.constant dense<0xFF800000> : vector<256xf32>
    %reduce_max3A_487 = vector.multi_reduction <maximumf>, %select_n3A_485, %reduce_max3A_486 [1] : vector<256x4096xf32> to vector<256xf32>
    %broadcast_in_dim3A_488 = vector.shape_cast %reduce_max3A_487 : vector<256xf32> to vector<256x1xf32>
    %eq3A_489 = vector.broadcast %broadcast_in_dim3A_488 : vector<256x1xf32> to vector<256x4096xf32>
    %eq3A_490 = arith.cmpf oeq, %select_n3A_485, %eq3A_489 : vector<256x4096xf32>
    %jit3A_491 = arith.constant 4096 : i32
    %broadcast_in_dim3A_492 = vector.broadcast %jit3A_491 : i32 to vector<256x4096xi32>
    %select_n3A_493 = arith.select %eq3A_490, %iota3A, %broadcast_in_dim3A_492 : vector<256x4096xi1>, vector<256x4096xi32>
    %reduce_min3A_494 = arith.constant dense<2147483647> : vector<256xi32>
    %reduce_min3A_495 = vector.multi_reduction <minsi>, %select_n3A_493, %reduce_min3A_494 [1] : vector<256x4096xi32> to vector<256xi32>
    %broadcast_in_dim3A_496 = vector.shape_cast %reduce_min3A_495 : vector<256xi32> to vector<256x1xi32>
    %add3A_497 = vector.broadcast %mul3A_33 : i32 to vector<256x1xi32>
    %add3A_498 = arith.addi %broadcast_in_dim3A_496, %add3A_497 : vector<256x1xi32>
    %swap3A_499 = arith.constant 0 : index
    %swap3A_500 = arith.constant 0 : index
    %swap3A_501 = arith.constant 19 : index
    %swap3A_502 = vector.load %arg5[%swap3A_499, %swap3A_500, %swap3A_501] : memref<1x256x24xi32, #tpu.memory_space<vmem>>, vector<1x256x1xi32>
    %swap3A_503 = vector.shape_cast %swap3A_502 : vector<1x256x1xi32> to vector<256x1xi32>
    %swap3A_504 = vector.shape_cast %add3A_498 : vector<256x1xi32> to vector<1x256x1xi32>
    tpu.vector_store %arg5[%swap3A_499, %swap3A_500, %swap3A_501], %swap3A_504 {strides = array<i32>} : memref<1x256x24xi32, #tpu.memory_space<vmem>>, vector<1x256x1xi32>,
    %swap3A_505 = arith.constant 0 : index
    %swap3A_506 = arith.constant 0 : index
    %swap3A_507 = arith.constant 20 : index
    %swap3A_508 = vector.load %arg5[%swap3A_505, %swap3A_506, %swap3A_507] : memref<1x256x24xi32, #tpu.memory_space<vmem>>, vector<1x256x1xi32>
    %swap3A_509 = vector.shape_cast %swap3A_508 : vector<1x256x1xi32> to vector<256x1xi32>
    %swap3A_510 = vector.shape_cast %add3A_48 : vector<256x1xi32> to vector<1x256x1xi32>
    tpu.vector_store %arg5[%swap3A_505, %swap3A_506, %swap3A_507], %swap3A_510 {strides = array<i32>} : memref<1x256x24xi32, #tpu.memory_space<vmem>>, vector<1x256x1xi32>,
    %swap3A_511 = arith.constant 0 : index
    %swap3A_512 = arith.constant 0 : index
    %swap3A_513 = arith.constant 21 : index
    %swap3A_514 = vector.load %arg5[%swap3A_511, %swap3A_512, %swap3A_513] : memref<1x256x24xi32, #tpu.memory_space<vmem>>, vector<1x256x1xi32>
    %swap3A_515 = vector.shape_cast %swap3A_514 : vector<1x256x1xi32> to vector<256x1xi32>
    %swap3A_516 = vector.shape_cast %add3A_48 : vector<256x1xi32> to vector<1x256x1xi32>
    tpu.vector_store %arg5[%swap3A_511, %swap3A_512, %swap3A_513], %swap3A_516 {strides = array<i32>} : memref<1x256x24xi32, #tpu.memory_space<vmem>>, vector<1x256x1xi32>,
    %swap3A_517 = arith.constant 0 : index
    %swap3A_518 = arith.constant 0 : index
    %swap3A_519 = arith.constant 22 : index
    %swap3A_520 = vector.load %arg5[%swap3A_517, %swap3A_518, %swap3A_519] : memref<1x256x24xi32, #tpu.memory_space<vmem>>, vector<1x256x1xi32>
    %swap3A_521 = vector.shape_cast %swap3A_520 : vector<1x256x1xi32> to vector<256x1xi32>
    %swap3A_522 = vector.shape_cast %add3A_48 : vector<256x1xi32> to vector<1x256x1xi32>
    tpu.vector_store %arg5[%swap3A_517, %swap3A_518, %swap3A_519], %swap3A_522 {strides = array<i32>} : memref<1x256x24xi32, #tpu.memory_space<vmem>>, vector<1x256x1xi32>,
    %swap3A_523 = arith.constant 0 : index
    %swap3A_524 = arith.constant 0 : index
    %swap3A_525 = arith.constant 23 : index
    %swap3A_526 = vector.load %arg5[%swap3A_523, %swap3A_524, %swap3A_525] : memref<1x256x24xi32, #tpu.memory_space<vmem>>, vector<1x256x1xi32>
    %swap3A_527 = vector.shape_cast %swap3A_526 : vector<1x256x1xi32> to vector<256x1xi32>
    %swap3A_528 = vector.shape_cast %add3A_48 : vector<256x1xi32> to vector<1x256x1xi32>
    tpu.vector_store %arg5[%swap3A_523, %swap3A_524, %swap3A_525], %swap3A_528 {strides = array<i32>} : memref<1x256x24xi32, #tpu.memory_space<vmem>>, vector<1x256x1xi32>,
    return
  }
  func.func @transform_0(%arg0: i32, %arg1: i32) -> (i32, i32, i32) {
    %c0_i32 = arith.constant 0 : i32
    %c0_i32_0 = arith.constant 0 : i32
    return %arg0, %c0_i32, %arg1 : i32, i32, i32
  }
  func.func @transform_1(%arg0: i32, %arg1: i32) -> (i32, i32, i32) {
    %c0_i32 = arith.constant 0 : i32
    %c0_i32_0 = arith.constant 0 : i32
    %c0_i32_1 = arith.constant 0 : i32
    return %arg0, %c0_i32, %c0_i32_0 : i32, i32, i32
  }
  func.func @transform_2(%arg0: i32, %arg1: i32) -> (i32, i32) {
    %c0_i32 = arith.constant 0 : i32
    %c0_i32_0 = arith.constant 0 : i32
    %c0_i32_1 = arith.constant 0 : i32
    return %c0_i32, %c0_i32_0 : i32, i32
  }
  func.func @transform_3(%arg0: i32, %arg1: i32) -> (i32, i32, i32) {
    %c0_i32 = arith.constant 0 : i32
    %c0_i32_0 = arith.constant 0 : i32
    return %arg0, %arg1, %c0_i32 : i32, i32, i32
  }
  func.func @transform_4(%arg0: i32, %arg1: i32) -> (i32, i32, i32) {
    %c0_i32 = arith.constant 0 : i32
    %c0_i32_0 = arith.constant 0 : i32
    return %arg0, %arg1, %c0_i32 : i32, i32, i32
  }
  func.func @transform_5(%arg0: i32, %arg1: i32) -> (i32, i32, i32) {
    %c0_i32 = arith.constant 0 : i32
    %c0_i32_0 = arith.constant 0 : i32
    return %arg0, %arg1, %c0_i32 : i32, i32, i32
  }
}

module attributes {stable_mosaic.version = 14 : i64} {
  func.func @_c2_body(%arg0: i32, %arg1: i32, %arg2: memref<1x512x256xf32, #tpu.memory_space<vmem>>, %arg3: memref<1x512x256xf32, #tpu.memory_space<vmem>>, %arg4: memref<1x512x256xf32, #tpu.memory_space<vmem>>, %arg5: memref<2x256xf32, #tpu.memory_space<vmem>>, %arg6: memref<1x256xf32, #tpu.memory_space<vmem>>, %arg7: memref<1x256x512xf32, #tpu.memory_space<vmem>>) attributes {dimension_semantics = [#tpu.dimension_semantics<arbitrary>, #tpu.dimension_semantics<arbitrary>], iteration_bounds = array<i64: 4, 8>, scalar_prefetch = 0 : i64, scratch_operands = 0 : i64, tpu.core_type = #tpu.core_type<tc>, window_params = [{transform_indices = @transform_0, window_bounds = array<i64: 1, 512, 256>}, {transform_indices = @transform_1, window_bounds = array<i64: 1, 512, 256>}, {transform_indices = @transform_2, window_bounds = array<i64: 1, 512, 256>}, {pipeline_mode = #tpu.pipeline_mode<synchronous>, transform_indices = @transform_3, window_bounds = array<i64: 2, 256>}, {pipeline_mode = #tpu.pipeline_mode<synchronous>, transform_indices = @transform_4, window_bounds = array<i64: 1, 256>}, {transform_indices = @transform_5, window_bounds = array<i64: 1, 256, 512>}]} {
    %get3A = arith.constant 0 : index
    %get3A_0 = arith.constant 0 : index
    %get3A_1 = arith.constant 0 : index
    %get3A_2 = vector.load %arg2[%get3A, %get3A_0, %get3A_1] : memref<1x512x256xf32, #tpu.memory_space<vmem>>, vector<1x512x256xf32>
    %get3A_3 = vector.shape_cast %get3A_2 : vector<1x512x256xf32> to vector<512x256xf32>
    %get3A_4 = arith.constant 0 : index
    %get3A_5 = arith.constant 0 : index
    %get3A_6 = arith.constant 0 : index
    %get3A_7 = vector.load %arg3[%get3A_4, %get3A_5, %get3A_6] : memref<1x512x256xf32, #tpu.memory_space<vmem>>, vector<1x512x256xf32>
    %get3A_8 = vector.shape_cast %get3A_7 : vector<1x512x256xf32> to vector<512x256xf32>
    %get3A_9 = arith.constant 0 : index
    %get3A_10 = arith.constant 0 : index
    %get3A_11 = arith.constant 0 : index
    %get3A_12 = vector.load %arg4[%get3A_9, %get3A_10, %get3A_11] : memref<1x512x256xf32, #tpu.memory_space<vmem>>, vector<1x512x256xf32>
    %get3A_13 = vector.shape_cast %get3A_12 : vector<1x512x256xf32> to vector<512x256xf32>
    %get3A_14 = arith.constant 0 : index
    %get3A_15 = arith.constant 0 : index
    %get3A_16 = vector.load %arg5[%get3A_14, %get3A_15] : memref<2x256xf32, #tpu.memory_space<vmem>>, vector<1x256xf32>
    %get3A_17 = arith.constant 1 : index
    %get3A_18 = arith.constant 0 : index
    %get3A_19 = vector.load %arg5[%get3A_17, %get3A_18] : memref<2x256xf32, #tpu.memory_space<vmem>>, vector<1x256xf32>
    %get3A_20 = arith.constant 0 : index
    %get3A_21 = arith.constant 0 : index
    %get3A_22 = vector.load %arg6[%get3A_20, %get3A_21] : memref<1x256xf32, #tpu.memory_space<vmem>>, vector<1x256xf32>
    %ge3A = arith.constant 0.000000e+00 : f32
    %ge3A_23 = vector.broadcast %ge3A : f32 to vector<1x256xf32>
    %ge3A_24 = arith.cmpf oge, %get3A_22, %ge3A_23 : vector<1x256xf32>
    %broadcast_in_dim3A = vector.shape_cast %ge3A_24 : vector<1x256xi1> to vector<1x256xi1>
    %broadcast_in_dim3A_25 = vector.broadcast %broadcast_in_dim3A : vector<1x256xi1> to vector<512x256xi1>
    %select_n3A = arith.select %broadcast_in_dim3A_25, %get3A_3, %get3A_8 : vector<512x256xi1>, vector<512x256xf32>
    %add3A = arith.addf %select_n3A, %get3A_13 : vector<512x256xf32>
    %mul3A = vector.broadcast %get3A_16 : vector<1x256xf32> to vector<512x256xf32>
    %mul3A_26 = arith.mulf %add3A, %mul3A : vector<512x256xf32>
    %add3A_27 = vector.broadcast %get3A_19 : vector<1x256xf32> to vector<512x256xf32>
    %add3A_28 = arith.addf %mul3A_26, %add3A_27 : vector<512x256xf32>
    %ge3A_29 = arith.constant 0.000000e+00 : f32
    %ge3A_30 = vector.broadcast %ge3A_29 : f32 to vector<512x256xf32>
    %ge3A_31 = arith.cmpf oge, %add3A_28, %ge3A_30 : vector<512x256xf32>
    %mul3A_32 = arith.constant 2.000000e-01 : f32
    %mul3A_33 = vector.broadcast %mul3A_32 : f32 to vector<512x256xf32>
    %mul3A_34 = arith.mulf %mul3A_33, %add3A_28 : vector<512x256xf32>
    %select_n3A_35 = arith.select %ge3A_31, %add3A_28, %mul3A_34 : vector<512x256xi1>, vector<512x256xf32>
    %transpose3A = tpu.transpose %select_n3A_35, [1, 0] : vector<512x256xf32> -> vector<256x512xf32>
    %swap3A = arith.constant 0 : index
    %swap3A_36 = arith.constant 0 : index
    %swap3A_37 = arith.constant 0 : index
    %swap3A_38 = vector.load %arg7[%swap3A, %swap3A_36, %swap3A_37] : memref<1x256x512xf32, #tpu.memory_space<vmem>>, vector<1x256x512xf32>
    %swap3A_39 = vector.shape_cast %swap3A_38 : vector<1x256x512xf32> to vector<256x512xf32>
    %swap3A_40 = vector.shape_cast %transpose3A : vector<256x512xf32> to vector<1x256x512xf32>
    tpu.vector_store %arg7[%swap3A, %swap3A_36, %swap3A_37], %swap3A_40 {strides = array<i32>} : memref<1x256x512xf32, #tpu.memory_space<vmem>>, vector<1x256x512xf32>,
    return
  }
  func.func @transform_0(%arg0: i32, %arg1: i32) -> (i32, i32, i32) {
    %c0_i32 = arith.constant 0 : i32
    %c0_i32_0 = arith.constant 0 : i32
    return %arg0, %arg1, %c0_i32 : i32, i32, i32
  }
  func.func @transform_1(%arg0: i32, %arg1: i32) -> (i32, i32, i32) {
    %c0_i32 = arith.constant 0 : i32
    %c0_i32_0 = arith.constant 0 : i32
    return %arg0, %arg1, %c0_i32 : i32, i32, i32
  }
  func.func @transform_2(%arg0: i32, %arg1: i32) -> (i32, i32, i32) {
    %c0_i32 = arith.constant 0 : i32
    %c0_i32_0 = arith.constant 0 : i32
    return %arg0, %arg1, %c0_i32 : i32, i32, i32
  }
  func.func @transform_3(%arg0: i32, %arg1: i32) -> (i32, i32) {
    %c0_i32 = arith.constant 0 : i32
    %c0_i32_0 = arith.constant 0 : i32
    %c0_i32_1 = arith.constant 0 : i32
    return %c0_i32, %c0_i32_0 : i32, i32
  }
  func.func @transform_4(%arg0: i32, %arg1: i32) -> (i32, i32) {
    %c0_i32 = arith.constant 0 : i32
    %c0_i32_0 = arith.constant 0 : i32
    %c0_i32_1 = arith.constant 0 : i32
    return %c0_i32, %c0_i32_0 : i32, i32
  }
  func.func @transform_5(%arg0: i32, %arg1: i32) -> (i32, i32, i32) {
    %c0_i32 = arith.constant 0 : i32
    %c0_i32_0 = arith.constant 0 : i32
    return %arg0, %c0_i32, %arg1 : i32, i32, i32
  }
}

</mosaic_0001>

<sc_bundles>
// kernel: kernel.6.cloned.1.call-start
scs
__scs_entry_jumppad:
0x0: {  	(pc) =	sbr.rel $0x88, $3  }
0x1: {  	(tag) =	ssettag $0x0;
	lr =	simm.s32 $0x1  }
0x2: {  	[smem:$0x3F9D] =	sst lr;
	_ =	strace $0xD0000000  }
0x3: {  	_ = 	snop  }
0x4: {  	_ = 	snop  }
0x5: {  	_ = 	snop  }
0x6: {  	_ = 	snop  }
0x7: {  	_ = 	snop  }
__scs_overlays_trampoline_lowered:
0x8: {  	[smem:$0x3FAC] =	sst s0  }
0x9: {  	[smem:$0x3FAD] =	sst s1  }
0xa: {  	[smem:$0x3FAE] =	sst s2  }
0xb: {  	[smem:$0x3FAF] =	sst s3  }
0xc: {  	[smem:$0x3FB0] =	sst s4  }
0xd: {  	[smem:$0x3FB1] =	sst s5  }
0xe: {  	[smem:$0x3FB2] =	sst s6  }
0xf: {  	[smem:$0x3FB3] =	sst s7  }
0x10: {  	[smem:$0x3FB4] =	sst s8  }
0x11: {  	[smem:$0x3FB5] =	sst s9;
	s0 =	simm.s32 @!p0 $0x0  }
0x12: {  	s1 =	sld [smem:$0x3F9B];
	s0 =	simm.s32 @p0 $0x1  }
0x13: {  	[smem:$0x3FB6] =	sst s0;
	s0 =	simm.s32 @!p1 $0x0  }
0x14: {  	s2 =	sld [smem:$0x3F9A];
	s0 =	simm.s32 @p1 $0x1  }
0x15: {  	[smem:$0x3FB7] =	sst s0;
	s0 =	simm.s32 @!p2 $0x0  }
0x16: {  	s3 =	sld [smem:$0x3FDB];
	s0 =	simm.s32 @p2 $0x1  }
0x17: {  	s4 =	simm.s32 $0x1BF5;
	[smem:$0x3FB9] =	sst s0  }
0x18: {  	s0 =	sld [smem:$0x3F9C];
	_ =	swait.ge [sflag:s4], $0x0  }
0x19: {  	s7 =	sld [smem:$0x3F9D]  }
0x1a: {  	s8 =	sadd.s32 $0xFFFFE003, lr  }
0x1b: {  	s9 =	sadd.s32 $0xFFFFFEF7, lr;
	s5 =	simm.s32 $0xFFFFFFFF;
	p2 =	slt.u32 s8, $0xFFFFF086  }
0x1c: {  	p1 =	slt.u32 s9, $0xF7A;
	s5 =	simm.s32 @!p2 $0x0  }
0x1d: {  	s5 =	simm.s32 @p1 $0x1;
	p0 =	seq.s32 s7, s2  }
0x1e: {  	s7 =	smul.u32 @!p0 $0xF7A, s2;
	p2 =	seq.s32 @!p0 s5, $0x0  }
0x1f: {  	s9 =	smul.u32 $0xF7A, s1;
	s8 =	simm.s32 @!p0 $0x1BF5;
	p2 =	por !p2, p0  }
0x20: {  	[sflag:s8] =	ssyncset.s32 @!p0 $0xFFFFF086;
	s6 =	sadd.s32 @!p0 s3, s7;
	s7 =	simm.s32 @!p0 $0x108  }
0x21: {  	s3 =	sadd.s32 s3, s9;
	s6 =	sadd.s32 @!p0 $0x88, s6;
	s7 =	simm.s32 @p2 $0x1082  }
0x22: {  	[simem:s7], [sflag:s8] =	dma.local @!p0 [hbm:s6], $0xF7A  }
0x23: {  	s9 =	sor.u32 $0xD0000000, s2;
	s6 =	simm.s32 $0x108;
	_ =	swait.ge @!p0 [sflag:s8], $0x0  }
0x24: {  	s3 =	sadd.s32 $0x88, s3;
	s6 =	simm.s32 @!p1 $0x1082;
	[sflag:s4] =	ssyncset.s32 $0xFFFFF086  }
0x25: {  	[simem:s6], [sflag:s4] =	dma.local [hbm:s3], $0xF7A  }
0x26: {  	[smem:$0x3F9D] =	sst s1;
	(tag) =	ssettag s2;
	_ =	strace s9  }
0x27: {  	s1 =	sld [smem:$0x3FAD]  }
0x28: {  	s2 =	sld [smem:$0x3FAE]  }
0x29: {  	s4 =	sld [smem:$0x3FB0]  }
0x2a: {  	p0 =	seq.s32 s5, $0x0;
	s5 =	sld [smem:$0x3FB1]  }
0x2b: {  	s6 =	sld [smem:$0x3FB2]  }
0x2c: {  	s7 =	sld [smem:$0x3FB3]  }
0x2d: {  	s3 =	simm.s32 $0x108;
	s8 =	sld [smem:$0x3FB4]  }
0x2e: {  	s3 =	simm.s32 @!p0 $0x1082;
	s9 =	sld [smem:$0x3FB5]  }
0x2f: {  	lr =	sadd.s32 s0, s3;
	s0 =	sld [smem:$0x3FAC]  }
0x30: {  	s3 =	sld [smem:$0x3FAF]  }
0x31: {  	[smem:$0x3FB8] =	sst s10  }
0x32: {  	s10 =	sld [smem:$0x3FB6];
	_ =	sdelay $0x3  }
0x33: {  	p0 =	seq.s32 s10, $0x1;
	s10 =	sld [smem:$0x3FB8];
	_ =	sdelay $0x3  }
0x34: {  	[smem:$0x3FB8] =	sst s10  }
0x35: {  	s10 =	sld [smem:$0x3FB7];
	_ =	sdelay $0x3  }
0x36: {  	p1 =	seq.s32 s10, $0x1;
	s10 =	sld [smem:$0x3FB8];
	_ =	sdelay $0x3  }
0x37: {  	[smem:$0x3FB8] =	sst s10  }
0x38: {  	s10 =	sld [smem:$0x3FB9]  }
0x39: {  	_ = 	snop;
	(pc) =	sbr.ind lr, $3  }
0x3a: {  	_ = 	snop  }
0x3b: {  	_ = 	snop  }
0x3c: {  	p2 =	seq.s32 s10, $0x1;
	s10 =	sld [smem:$0x3FB8]  }
0x3d: {  	_ =	shalt  }
0x3e: {  	_ =	shalt  }
0x3f: {  	_ =	shalt  }
0x40: {  	_ =	shalt  }
0x41: {  	_ =	shalt  }
0x42: {  	_ =	shalt  }
0x43: {  	_ =	shalt  }
0x44: {  	_ =	shalt  }
0x45: {  	_ =	shalt  }
0x46: {  	_ =	shalt  }
0x47: {  	_ =	shalt  }
0x48: {  	_ =	shalt  }
0x49: {  	_ =	shalt  }
0x4a: {  	_ =	shalt  }
0x4b: {  	_ =	shalt  }
0x4c: {  	_ =	shalt  }
0x4d: {  	_ =	shalt  }
0x4e: {  	_ =	shalt  }
0x4f: {  	_ =	shalt  }
0x50: {  	_ =	shalt  }
0x51: {  	_ =	shalt  }
0x52: {  	_ =	shalt  }
0x53: {  	_ =	shalt  }
0x54: {  	_ =	shalt  }
0x55: {  	_ =	shalt  }
0x56: {  	_ =	shalt  }
0x57: {  	_ =	shalt  }
0x58: {  	_ =	shalt  }
0x59: {  	_ =	shalt  }
0x5a: {  	_ =	shalt  }
0x5b: {  	_ =	shalt  }
0x5c: {  	_ =	shalt  }
0x5d: {  	_ =	shalt  }
0x5e: {  	_ =	shalt  }
0x5f: {  	_ =	shalt  }
0x60: {  	_ =	shalt  }
0x61: {  	_ =	shalt  }
0x62: {  	_ =	shalt  }
0x63: {  	_ =	shalt  }
0x64: {  	_ =	shalt  }
0x65: {  	_ =	shalt  }
0x66: {  	_ =	shalt  }
0x67: {  	_ =	shalt  }
0x68: {  	_ =	shalt  }
0x69: {  	_ =	shalt  }
0x6a: {  	_ =	shalt  }
0x6b: {  	_ =	shalt  }
0x6c: {  	_ =	shalt  }
0x6d: {  	_ =	shalt  }
0x6e: {  	_ =	shalt  }
0x6f: {  	_ =	shalt  }
0x70: {  	_ =	shalt  }
0x71: {  	_ =	shalt  }
0x72: {  	_ =	shalt  }
0x73: {  	_ =	shalt  }
0x74: {  	_ =	shalt  }
0x75: {  	_ =	shalt  }
0x76: {  	_ =	shalt  }
0x77: {  	_ =	shalt  }
0x78: {  	_ =	shalt  }
0x79: {  	_ =	shalt  }
0x7a: {  	_ =	shalt  }
0x7b: {  	_ =	shalt  }
0x7c: {  	_ =	shalt  }
0x7d: {  	_ =	shalt  }
0x7e: {  	_ =	shalt  }
0x7f: {  	_ =	shalt  }
0x80: {  	_ =	shalt  }
0x81: {  	_ =	shalt  }
0x82: {  	_ =	shalt  }
0x83: {  	_ =	shalt  }
0x84: {  	_ =	shalt  }
0x85: {  	_ =	shalt  }
0x86: {  	_ =	shalt  }
0x87: {  	_ =	shalt  }
.Lfunc_end0:
.L_simem_size_0:
called_computation_lowered:
.L_overlay_start_0:
0x88: {  	s2 =	sld [smem:$0x3FD9]  }
0x89: {  	s3 =	sld [smem:$0x3FFE];
	_ =	sdelay $0x1  }
0x8a: {  	s1 =	srdreg.scid  }
0x8b: {  	s0 =	sand.u32 $0x1, s1  }
0x8c: {  	s17 =	sshll.u32 s0, $0xA;
	s2 =	sadd.s32 s3, s2  }
0x8d: {  	s2 =	sadd.s32 s2, s17  }
0x8e: {  	[smem:$0x3FC4] =	sst s2  }
0x8f: {  	_ = 	snop  }
0x90: {  	s2 =	sld [smem:$0x3FD0];
	(tm) =	ssettm $0x1  }
0x91: {  	s18 =	sld [smem:$0x3FFB];
	_ =	sdelay $0x3  }
0x92: {  	_ =	strace s18  }
0x93: {  	s3 =	sld [smem:$0x3FFC];
	_ =	sdelay $0x3  }
0x94: {  	_ =	strace s3  }
0x95: {  	s3 =	sld [smem:$0x3FFD];
	_ =	sdelay $0x3  }
0x96: {  	_ =	strace s3  }
0x97: {  	_ =	strace $0x8FFFFFFF  }
0x98: {  	s19 =	sld [smem:$0x3FDB];
	_ =	sdelay $0x1  }
0x99: {  	s4 =	simm.s32 $_scs_section_size  }
0x9a: {  	s5 =	simm.s32 $_size__tile_overlayer_lowered;
	s6 =	simm.s32 $_tile_overlayer_lowered  }
0x9b: {  	s22 =	simm.s32 $0x1BFF;
	s21 =	sshll.u32 s6, $0x1;
	s3 =	sadd.s32 s4, s19  }
0x9c: {  	s7 =	simm.s32 $0x0;
	s20 =	sshll.u32 s5, $0x1;
	s5 =	sadd.s32 s21, s3  }
0x9d: {  	[timem:s7], [sflag:s22] =	dma.local [hbm:s5], s20  }
0x9e: {  	_ =	swait.ge [sflag:s22], s20  }
0x9f: {  	s4 =	ssub.s32 $0x0, s20;
	[sflag:s22] =	ssyncset.done $0x0  }
0xa0: {  	[sflag:s22] =	ssyncadd.s32 s4;
	_ =	sdelay $0x1  }
0xa1: {  	s23 =	simm.s32 $0x1B8B  }
0xa2: {  	_ =	swait.ge [sflag:s23], $0x1  }
0xa3: {  	[sflag:s23] =	ssyncset.done $0x0  }
0xa4: {  	s25 =	simm.s32 $0x1B8E;
	s24 =	sld [smem:$0x3FFE];
	[sflag:s23] =	ssyncadd.s32 $0xFFFFFFFF  }
0xa5: {  	s26 =	simm.s32 $execute0_lowered;
	[smem:$0x3FD2] =	sst s25  }
0xa6: {  	s5 =	sshll.u32 s26, $0x1;
	_ =	strace $0x80000046;
	[dreg:$0x1] =	wrdreg $0xFFFFFFFF  }
0xa7: {  	s28 =	simm.s32 $_size_execute0_lowered;
	s3 =	sadd.s32 s3, s5;
	[dreg:$0x0] =	wrdreg $0x0  }
0xa8: {  	s5 =	sshll.u32 s28, $0x1;
	[dreg:$0x2] =	wrdreg s3  }
0xa9: {  	[dreg:$0x3] =	wrdreg s5  }
0xaa: {  	[dreg:$0x4] =	wrdreg $0xC0  }
0xab: {  	_ =	task [dreg:s7], $0x5FFFF  }
0xac: {  	[dreg:$0x1] =	wrdreg $0xFFFFFFFF  }
0xad: {  	[dreg:$0x0] =	wrdreg $0x60  }
0xae: {  	[dreg:$0x2] =	wrdreg s2  }
0xaf: {  	[dreg:$0x3] =	wrdreg s24  }
0xb0: {  	[dreg:$0x4] =	wrdreg $0x9  }
0xb1: {  	_ =	task.clear_ibuf [dreg:s7], $0x5FFFF;
	_ =	strace $0x90000046  }
0xb2: {  	s29 =	simm.s32 $0x9;
	_ =	strace $0x80000048  }
0xb3: {  	_ =	swait.ge [sflag:s29], $0x1  }
0xb4: {  	[sflag:s29] =	ssyncadd.s32 $0xFFFFFFFF  }
0xb5: {  	_ =	strace $0x90000048  }
0xb6: {  	_ =	sfence  }
0xb7: {  	s30 =	sld [smem:$0x0];
	_ =	sdelay $0x2  }
0xb8: {  	s31 =	sshll.u32 s1, $0xD;
	s1 =	sshrl.u32 s1, $0x2  }
0xb9: {  	s3 =	sand.u32 $0x4000, s31;
	s1 =	sadd.s32 s1, s30  }
0xba: {  	s0 =	sor.u32 s3, s0;
	s1 =	sshll.u32 s1, $0x11  }
0xbb: {  	s0 =	sor.u32 s1, s0  }
0xbc: {  	s0 =	sadd.s32 $0x8F2B, s0  }
0xbd: {  	[sflag:s0] =	ssyncadd.remote.s32 $0x1  }
0xbe: {  	_ =	sfence.sel $0xFFFF  }
0xbf: {  	[dreg:$0x0] =	wrdreg $0xFFFFFFFF;
	(pc) =	sbr.abs _section_cstart, $3  }
0xc0: {  	[dreg:$0x1] =	wrdreg $0xFFFFFFFF  }
0xc1: {  	_ =	task.clear_ibuf [dreg:s7], $0x2FFFF;
	_ =	strace $0x9FFFFFFF  }
0xc2: {  	(tm) =	ssettm $0x7FFFFFFF  }
0xc3: {  	_ =	shalt  }
tec
execute0_lowered:
.L_overlay_start_1:
0x0: {  	(tag) =	ssettag $0x1  }
0x1: {  	s0 =	srdreg.scid  }
0x2: {  	s1 =	stileid.u32;
	s2 =	rddreg [dreg:$0x0]  }
0x3: {  	s4 =	rddreg [dreg:$0x1];
	s3 =	simm.s32 $0x0;
	s18 =	simm.s32 $0x1  }
0x4: {  	s0 =	sand.u32 $0x1, s0;
	[smem:$0x7FF] =	sst s3;
	s6 =	sadd.s32 $0x8D600, s4  }
0x5: {  	s1 =	sshll.u32 s1, $0x1;
	s28 =	sadd.s32 $0x10D600, s4;
	s30 =	sadd.s32 $0x18D600, s4  }
0x6: {  	s1 =	sor.u32 s0, s1;
	_ =	strace $0x80000047;
	[dreg:$0x3] =	wrdreg s6  }
0x7: {  	s0 =	ssub.s32 $0x2, s0;
	[dreg:$0x4] =	wrdreg s28;
	s5 =	smul.u32 $0x600, s1  }
0x8: {  	s19 =	simm.s32 $0x2;
	[dreg:$0x5] =	wrdreg s30;
	s8 =	sshrl.u32 s0, $0x1  }
0x9: {  	s0 =	ssub.s32 s0, s8;
	s5 =	sadd.s32 s5, s4;
	s4 =	sadd.s32 $0x20D600, s4  }
0xa: {  	v2 =	vlaneseq.u32;
	vm1 =	vcmask $0x2F20;
	vm2 =	vcmask $0xF00;
	s24 =	simm.s32 $0x3;
	s0 =	smax.u32 s0, $0x1;
	[dreg:$0x6] =	wrdreg s4  }
0xb: {  	vm0 =	vmmov $0xffff;
	s29 =	simm.s32 $0x0;
	v0 =	vand.u32 $0x7, v2;
	v1 =	vshrl.u32 v2, $0x3;
	s31 =	sadd.s32 $0x81600, s5;
	[dreg:$0x8] =	wrdreg s0  }
0xc: {  	v2 =	vor.u32 $0x8, v2;
	vm1 =	vmor vm2, vm1;
	v1 =	vmul.u32 $0x8, v1;
	s8 =	sshll.u32 s1, $0xE;
	s1 =	simm.s32 $0x0;
	[dreg:$0x7] =	wrdreg s31  }
.LBB2_1:
0xd: {  	[dreg:$0x9] =	wrdreg s1  }
0xe: {  	s0 =	rddreg [dreg:$0x7];
	s22 =	simm.s32 $0x4  }
0xf: {  	[tilespmem:s3], [sflag:$0x4] =	stream.linear.gather [hbm4b:s0+s3], $0x3000, $0x38;
	[tilespmem:$0xE000] =	vst v63  }
0x10: {  	_ =	swait.ge [sflag:s22], $0x3000  }
0x11: {  	[sflag:s22] =	ssyncset.done $0x0  }
0x12: {  	[sflag:s22] =	ssyncadd.s32 $0xFFFFD000  }
0x13: {  	v3 =	vld [tilespmem:$0x0];
	_ =	sdelay $0x4  }
0x14: {  	v4 =	vshll.u32 v3, $0x1  }
0x15: {  	v3 =	vand.u32 $0x7, v3;
	v4 =	vand.u32 $0xFFFFFFF0, v4  }
0x16: {  	v3 =	vor.u32 v3, v4  }
0x17: {  	v4 =	vperm.xlane v3, v0;
	_ =	sdelay $0x1  }
0x18: {  	v3 =	vperm.xlane v3, v2;
	v4 =	vadd.s32 v1, v4;
	_ =	sdelay $0x1  }
0x19: {  	v3 =	vadd.s32 v1, v3;
	_ =	sdelay $0x1  }
0x1a: {  	s23 =	simm.s32 $0x3000  }
0x1b: {  	[tilespmem:s23], [sflag:$0x1] =	stream.indirect_vreg.gather [hbm4b:s2+s3], $0x80, v4, vm0, $0xb8;
	[tilespmem:$0xE000] =	vst v63  }
0x1c: {  	s25 =	simm.s32 $0x3800  }
0x1d: {  	[tilespmem:s25], [sflag:$0x1] =	stream.indirect_vreg.gather [hbm4b:s2+s3], $0x80, v3, vm0, $0xb8;
	[tilespmem:$0xE000] =	vst v63  }
0x1e: {  	v3 =	vld.msk [tilespmem:$0x10], $0xf;
	_ =	sdelay $0x4  }
0x1f: {  	v61 =	vshll.u32 v3, $0x1  }
0x20: {  	v3 =	vand.u32 $0x7, v3;
	v4 =	vand.u32 $0xFFFFFFF0, v61  }
0x21: {  	v3 =	vor.u32 v3, v4  }
0x22: {  	v3 =	vperm.xlane v3, v0;
	_ =	sdelay $0x1  }
0x23: {  	v3 =	vadd.s32 v1, v3;
	_ =	sdelay $0x3  }
0x24: {  	s26 =	simm.s32 $0x4000  }
0x25: {  	[tilespmem:s26], [sflag:$0x1] =	stream.indirect_vreg.gather [hbm4b:s2+s3], $0x80, v3, vm1, $0xb8;
	[tilespmem:$0xE000] =	vst v63  }
0x26: {  	v3 =	vld [tilespmem:$0x18];
	_ =	sdelay $0x4  }
0x27: {  	v62 =	vshll.u32 v3, $0x1  }
0x28: {  	v3 =	vand.u32 $0x7, v3;
	v4 =	vand.u32 $0xFFFFFFF0, v62  }
0x29: {  	v3 =	vor.u32 v3, v4  }
0x2a: {  	v4 =	vperm.xlane v3, v0;
	_ =	sdelay $0x1  }
0x2b: {  	v3 =	vperm.xlane v3, v2;
	v4 =	vadd.s32 v1, v4;
	_ =	sdelay $0x1  }
0x2c: {  	v3 =	vadd.s32 v1, v3;
	_ =	sdelay $0x1  }
0x2d: {  	s28 =	simm.s32 $0x4800  }
0x2e: {  	[tilespmem:s28], [sflag:$0x2] =	stream.indirect_vreg.gather [hbm4b:s2+s3], $0x80, v4, vm0, $0xb8;
	[tilespmem:$0xE000] =	vst v63  }
0x2f: {  	s30 =	simm.s32 $0x5000  }
0x30: {  	[tilespmem:s30], [sflag:$0x2] =	stream.indirect_vreg.gather [hbm4b:s2+s3], $0x80, v3, vm0, $0xb8;
	[tilespmem:$0xE000] =	vst v63  }
0x31: {  	v3 =	vld.msk [tilespmem:$0x28], $0xf;
	_ =	sdelay $0x4  }
0x32: {  	v63 =	vshll.u32 v3, $0x1  }
0x33: {  	v3 =	vand.u32 $0x7, v3;
	v4 =	vand.u32 $0xFFFFFFF0, v63  }
0x34: {  	v3 =	vor.u32 v3, v4  }
0x35: {  	v3 =	vperm.xlane v3, v0;
	_ =	sdelay $0x1  }
0x36: {  	v3 =	vadd.s32 v1, v3;
	_ =	sdelay $0x3  }
0x37: {  	s31 =	simm.s32 $0x5800;
	s26 =	simm.s32 $0x0  }
0x38: {  	[tilespmem:s31], [sflag:$0x2] =	stream.indirect_vreg.gather [hbm4b:s2+s3], $0x80, v3, vm1, $0xb8;
	[tilespmem:$0xE000] =	vst v63  }
.LBB2_2:
0x39: {  	s28 =	sshll.u32 s26, $0x5;
	s30 =	simm.s32 $0x0  }
.LBB2_3:
0x3a: {  	_ =	swait.ge [sflag:s18], $0x1400  }
0x3b: {  	s4 =	sand.u32 $0x70, s29;
	s5 =	sand.u32 $0x400, s29;
	[sflag:s18] =	ssyncset.done $0x0  }
0x3c: {  	s0 =	sor.u32 s4, s5;
	[sflag:s18] =	ssyncadd.s32 $0xFFFFEC00  }
0x3d: {  	v3 =	vld [tilespmem:s0+$0x3080]  }
0x3e: {  	v4 =	vld [tilespmem:s0+$0x3000];
	_ =	sdelay $0x1  }
0x3f: {  	v5 =	vld [tilespmem:s0+$0x3100];
	_ =	sdelay $0x1  }
0x40: {  	v6 =	vld [tilespmem:s0+$0x3180]  }
0x41: {  	v7 =	vmul.f32 v3, v3;
	v8 =	vmul.f32 v4, v4  }
0x42: {  	v10 =	vld [tilespmem:s0+$0x3200];
	v9 =	vadd.f32 v3, v4  }
0x43: {  	v11 =	vmul.f32 v5, v5;
	v7 =	vadd.f32 v7, v8  }
0x44: {  	v47 =	vld [tilespmem:s0+$0x3280];
	v46 =	vadd.f32 v5, v9  }
0x45: {  	v12 =	vmul.f32 v6, v6;
	v7 =	vadd.f32 v11, v7  }
0x46: {  	s1 =	sor.u32 s29, s29;
	v48 =	vld [tilespmem:s0+$0x3300];
	v8 =	vadd.f32 v6, v46  }
0x47: {  	s1 =	sor.u32 $0x380, s1;
	v13 =	vmul.f32 v10, v10;
	v7 =	vadd.f32 v12, v7  }
0x48: {  	v49 =	vld [tilespmem:s1+$0x3000];
	v8 =	vadd.f32 v10, v8  }
0x49: {  	v14 =	vmul.f32 v47, v47;
	v7 =	vadd.f32 v13, v7  }
0x4a: {  	v50 =	vld [tilespmem:s0+$0x3800];
	v8 =	vadd.f32 v47, v8  }
0x4b: {  	v15 =	vmul.f32 v48, v48;
	v7 =	vadd.f32 v14, v7  }
0x4c: {  	v51 =	vld [tilespmem:s0+$0x3880];
	v8 =	vadd.f32 v48, v8  }
0x4d: {  	v16 =	vmul.f32 v49, v49;
	v7 =	vadd.f32 v15, v7  }
0x4e: {  	v52 =	vld [tilespmem:s0+$0x3900];
	v8 =	vadd.f32 v49, v8  }
0x4f: {  	v17 =	vmul.f32 v50, v50;
	v7 =	vadd.f32 v16, v7  }
0x50: {  	v53 =	vld [tilespmem:s0+$0x3980];
	v54 =	vmax.f32 v4, v3;
	v3 =	vmin.f32 v4, v3;
	v8 =	vadd.f32 v50, v8  }
0x51: {  	v18 =	vmul.f32 v51, v51;
	v3 =	vmin.f32 v3, v5;
	v7 =	vadd.f32 v17, v7  }
0x52: {  	v4 =	vld [tilespmem:s0+$0x3A00];
	v3 =	vmin.f32 v3, v6;
	v8 =	vadd.f32 v51, v8  }
0x53: {  	v55 =	vmul.f32 v52, v52;
	v3 =	vmin.f32 v3, v10;
	v7 =	vadd.f32 v18, v7  }
0x54: {  	v56 =	vld [tilespmem:s0+$0x3A80];
	v3 =	vmin.f32 v3, v47;
	v17 =	vmax.f32 v54, v5;
	v8 =	vadd.f32 v52, v8  }
0x55: {  	v5 =	vmax.f32 v17, v6;
	v6 =	vadd.f32 v55, v7;
	v7 =	vmul.f32 v53, v53  }
0x56: {  	v57 =	vld [tilespmem:s0+$0x3B00];
	v3 =	vmin.f32 v3, v48;
	v8 =	vadd.f32 v53, v8  }
0x57: {  	v3 =	vmin.f32 v3, v49;
	v6 =	vadd.f32 v7, v6;
	v7 =	vmul.f32 v4, v4  }
0x58: {  	v58 =	vld [tilespmem:s0+$0x3B80];
	v3 =	vmin.f32 v3, v50;
	v5 =	vmax.f32 v5, v10;
	v8 =	vadd.f32 v4, v8  }
0x59: {  	v5 =	vmax.f32 v5, v47;
	v6 =	vadd.f32 v7, v6;
	v7 =	vmul.f32 v56, v56  }
0x5a: {  	v59 =	vld [tilespmem:s0+$0x4000];
	v3 =	vmin.f32 v3, v51;
	v5 =	vmax.f32 v5, v48;
	v8 =	vadd.f32 v56, v8  }
0x5b: {  	v5 =	vmax.f32 v5, v49;
	v6 =	vadd.f32 v7, v6;
	v7 =	vmul.f32 v57, v57  }
0x5c: {  	v60 =	vld [tilespmem:s0+$0x4080];
	v3 =	vmin.f32 v3, v52;
	v5 =	vmax.f32 v5, v50;
	v8 =	vadd.f32 v57, v8  }
0x5d: {  	v5 =	vmax.f32 v5, v51;
	v6 =	vadd.f32 v7, v6;
	v7 =	vmul.f32 v58, v58  }
0x5e: {  	v61 =	vld [tilespmem:s0+$0x4100];
	v3 =	vmin.f32 v3, v53;
	v5 =	vmax.f32 v5, v52;
	v8 =	vadd.f32 v58, v8  }
0x5f: {  	v5 =	vmax.f32 v5, v53;
	v6 =	vadd.f32 v7, v6;
	v7 =	vmul.f32 v59, v59  }
0x60: {  	v62 =	vld [tilespmem:s0+$0x4180];
	v3 =	vmin.f32 v3, v4;
	v5 =	vmax.f32 v5, v4;
	v8 =	vadd.f32 v59, v8  }
0x61: {  	s23 =	sshll.u32 s30, $0x9;
	v5 =	vmax.f32 v5, v56;
	v6 =	vadd.f32 v7, v6;
	v7 =	vmul.f32 v60, v60  }
0x62: {  	s25 =	sshll.u32 s30, $0x8;
	s10 =	sand.u32 $0x1800, s23;
	v3 =	vmin.f32 v3, v56;
	v4 =	vmax.f32 v5, v57;
	v5 =	vadd.f32 v60, v8  }
0x63: {  	s21 =	simm.s32 $0x20;
	s14 =	sand.u32 $0x300, s25;
	s31 =	sor.u32 $0x8000, s10;
	v63 =	vmul.f32 v61, v61;
	v3 =	vmin.f32 v3, v57;
	v6 =	vadd.f32 v7, v6  }
0x64: {  	s12 =	sor.u32 $0xC000, s10;
	s1 =	sor.u32 $0x6000, s10;
	s13 =	sor.u32 s14, s31;
	v3 =	vmin.f32 v3, v58;
	v5 =	vadd.f32 v61, v5  }
0x65: {  	s17 =	sor.u32 s14, s12;
	s9 =	sor.u32 s14, s1;
	s20 =	sadd.s32 s5, s13;
	v4 =	vmax.f32 v4, v58;
	v7 =	vmul.f32 v62, v62;
	v6 =	vadd.f32 v63, v6  }
0x66: {  	s23 =	sadd.s32 s5, s17;
	s11 =	sadd.s32 s5, s9;
	s0 =	sor.u32 $0xA000, s10;
	v3 =	vmin.f32 v3, v59;
	v4 =	vmax.f32 v4, v59;
	v5 =	vadd.f32 v62, v5  }
0x67: {  	s20 =	sadd.s32 s4, s20;
	s11 =	sadd.s32 s4, s11;
	s16 =	sor.u32 s14, s0;
	v3 =	vmin.f32 v3, v60;
	v4 =	vmax.f32 v4, v60;
	v6 =	vadd.f32 v7, v6  }
0x68: {  	s23 =	sadd.s32 s4, s23;
	s10 =	simm.s32 $0x10;
	s22 =	sadd.s32 s5, s16;
	v3 =	vmin.f32 v3, v61;
	v4 =	vmax.f32 v4, v61;
	[tilespmem:s11+$0x0] =	vst v5  }
0x69: {  	s15 =	sand.u32 $0x70, s10;
	s5 =	sadd.s32 s4, s22;
	v3 =	vmin.f32 v3, v62;
	v4 =	vmax.f32 v4, v62;
	s11 =	simm.s32 $0x80;
	[tilespmem:s20+$0x0] =	vst v6  }
.LBB2_4:
0x6a: {  	s25 =	sand.u32 $0x70, s21  }
0x6b: {  	s6 =	sand.u32 $0x400, s11;
	[tilespmem:s5+$0x0] =	vst v4;
	s7 =	smov.u32 s21;
	s20 =	sadd.s32 $0x10, s21  }
0x6c: {  	s5 =	sor.u32 s15, s6;
	s4 =	sadd.s32 s6, s9;
	s22 =	sadd.s32 s6, s13;
	[tilespmem:s23+$0x0] =	vst v3  }
0x6d: {  	p0 =	sne.s32 s21, $0xF0;
	s23 =	sadd.s32 s6, s16;
	s21 =	sadd.s32 s6, s17;
	v3 =	vld [tilespmem:s5+$0x3080]  }
0x6e: {  	v4 =	vld [tilespmem:s5+$0x3000]  }
0x6f: {  	v5 =	vld [tilespmem:s5+$0x3100];
	_ =	sdelay $0x1  }
0x70: {  	v6 =	vld [tilespmem:s5+$0x3180]  }
0x71: {  	v7 =	vmul.f32 v3, v3  }
0x72: {  	v8 =	vmul.f32 v4, v4;
	v9 =	vadd.f32 v3, v4;
	v10 =	vmax.f32 v4, v3;
	v11 =	vld [tilespmem:s5+$0x3200]  }
0x73: {  	v3 =	vmin.f32 v4, v3;
	v4 =	vmul.f32 v5, v5;
	v10 =	vmax.f32 v10, v5  }
0x74: {  	v3 =	vmin.f32 v3, v5;
	v7 =	vadd.f32 v7, v8;
	v8 =	vadd.f32 v5, v9;
	v5 =	vld [tilespmem:s5+$0x3280]  }
0x75: {  	v9 =	vmul.f32 v6, v6;
	v10 =	vmax.f32 v10, v6;
	v3 =	vmin.f32 v3, v6  }
0x76: {  	s6 =	sor.u32 s11, s10;
	s10 =	smov.u32 s7;
	v4 =	vadd.f32 v4, v7;
	v6 =	vadd.f32 v6, v8;
	v7 =	vld [tilespmem:s5+$0x3300]  }
0x77: {  	s6 =	sor.u32 $0x380, s6;
	v8 =	vmul.f32 v11, v11;
	v10 =	vmax.f32 v10, v11;
	v3 =	vmin.f32 v3, v11  }
0x78: {  	v4 =	vadd.f32 v9, v4;
	v6 =	vadd.f32 v11, v6;
	v9 =	vld [tilespmem:s6+$0x3000]  }
0x79: {  	v11 =	vmul.f32 v5, v5;
	v10 =	vmax.f32 v10, v5  }
0x7a: {  	v3 =	vmin.f32 v3, v5;
	v4 =	vadd.f32 v8, v4;
	v6 =	vadd.f32 v5, v6;
	v5 =	vld [tilespmem:s5+$0x3800]  }
0x7b: {  	v8 =	vmul.f32 v7, v7;
	v10 =	vmax.f32 v10, v7;
	v3 =	vmin.f32 v3, v7  }
0x7c: {  	v4 =	vadd.f32 v11, v4;
	v6 =	vadd.f32 v7, v6;
	v7 =	vld [tilespmem:s5+$0x3880]  }
0x7d: {  	v11 =	vmul.f32 v9, v9;
	v10 =	vmax.f32 v10, v9;
	v3 =	vmin.f32 v3, v9  }
0x7e: {  	v4 =	vadd.f32 v8, v4;
	v6 =	vadd.f32 v9, v6;
	v8 =	vld [tilespmem:s5+$0x3900]  }
0x7f: {  	v9 =	vmul.f32 v5, v5;
	v10 =	vmax.f32 v10, v5;
	v3 =	vmin.f32 v3, v5;
	v12 =	vld [tilespmem:s5+$0x3980]  }
0x80: {  	v4 =	vadd.f32 v11, v4;
	v5 =	vadd.f32 v5, v6;
	v6 =	vld [tilespmem:s5+$0x3A00]  }
0x81: {  	v11 =	vmul.f32 v7, v7;
	v3 =	vmin.f32 v3, v7;
	v13 =	vld [tilespmem:s5+$0x3A80]  }
0x82: {  	v4 =	vadd.f32 v9, v4;
	v5 =	vadd.f32 v7, v5;
	v7 =	vmax.f32 v10, v7;
	v9 =	vld [tilespmem:s5+$0x3B00]  }
0x83: {  	v10 =	vmul.f32 v8, v8;
	v7 =	vmax.f32 v7, v8;
	v3 =	vmin.f32 v3, v8;
	v14 =	vld [tilespmem:s5+$0x3B80]  }
0x84: {  	v4 =	vadd.f32 v11, v4;
	v5 =	vadd.f32 v8, v5;
	v7 =	vmax.f32 v7, v12;
	v8 =	vld [tilespmem:s5+$0x4000]  }
0x85: {  	v11 =	vmul.f32 v12, v12;
	v3 =	vmin.f32 v3, v12;
	v7 =	vmax.f32 v7, v6;
	v15 =	vld [tilespmem:s5+$0x4080]  }
0x86: {  	v4 =	vadd.f32 v10, v4;
	v5 =	vadd.f32 v12, v5;
	v7 =	vmax.f32 v7, v13;
	v10 =	vld [tilespmem:s5+$0x4100]  }
0x87: {  	v3 =	vmin.f32 v3, v6;
	v12 =	vmul.f32 v6, v6;
	v7 =	vmax.f32 v7, v9  }
0x88: {  	v4 =	vadd.f32 v11, v4;
	v5 =	vadd.f32 v6, v5;
	v6 =	vmax.f32 v7, v14  }
0x89: {  	v3 =	vmin.f32 v3, v13;
	v7 =	vmul.f32 v13, v13;
	v6 =	vmax.f32 v6, v8  }
0x8a: {  	v4 =	vadd.f32 v12, v4;
	v5 =	vadd.f32 v13, v5;
	v6 =	vmax.f32 v6, v15  }
0x8b: {  	v3 =	vmin.f32 v3, v9;
	v11 =	vmul.f32 v9, v9;
	v6 =	vmax.f32 v6, v10  }
0x8c: {  	v3 =	vmin.f32 v3, v14;
	v4 =	vadd.f32 v7, v4;
	v5 =	vadd.f32 v9, v5  }
0x8d: {  	v3 =	vmin.f32 v3, v8;
	v7 =	vmul.f32 v14, v14  }
0x8e: {  	v3 =	vmin.f32 v3, v15;
	v4 =	vadd.f32 v11, v4;
	v5 =	vadd.f32 v14, v5  }
0x8f: {  	v3 =	vmin.f32 v3, v10;
	v9 =	vmul.f32 v8, v8  }
0x90: {  	v4 =	vadd.f32 v7, v4;
	v5 =	vadd.f32 v8, v5;
	v7 =	vld [tilespmem:s5+$0x4180]  }
0x91: {  	v8 =	vmul.f32 v15, v15  }
0x92: {  	v4 =	vadd.f32 v9, v4;
	v5 =	vadd.f32 v15, v5  }
0x93: {  	v9 =	vmul.f32 v10, v10  }
0x94: {  	v4 =	vadd.f32 v8, v4;
	v5 =	vadd.f32 v10, v5  }
0x95: {  	v8 =	vmul.f32 v7, v7  }
.Ltmp0:
0x96: {  	v4 =	vadd.f32 v9, v4;
	v5 =	vadd.f32 v7, v5;
	(pc) =	sbr.rel @p0 .LBB2_4-.Ltmp0, $4  }
0x97: {  	s4 =	sadd.s32 s15, s4  }
0x98: {  	v8 =	vadd.f32 v8, v4;
	[tilespmem:s4+$0x0] =	vst v5;
	s4 =	sadd.s32 s15, s22  }
0x99: {  	s11 =	sadd.s32 $0x80, s11;
	s5 =	sadd.s32 s15, s23;
	v4 =	vmax.f32 v6, v7  }
0x9a: {  	s23 =	sadd.s32 s15, s21;
	s21 =	smov.u32 s20;
	v3 =	vmin.f32 v3, v7;
	s15 =	smov.u32 s25;
	[tilespmem:s4+$0x0] =	vst v8  }
0x9b: {  	s4 =	sand.u32 $0x400, s11;
	[tilespmem:s5+$0x0] =	vst v4  }
0x9c: {  	s21 =	sor.u32 s15, s4;
	[tilespmem:s23+$0x0] =	vst v3  }
0x9d: {  	v3 =	vld [tilespmem:s21+$0x3080]  }
0x9e: {  	v4 =	vld [tilespmem:s21+$0x3000];
	_ =	sdelay $0x1  }
0x9f: {  	v5 =	vld [tilespmem:s21+$0x3100];
	_ =	sdelay $0x1  }
0xa0: {  	v6 =	vld [tilespmem:s21+$0x3180]  }
0xa1: {  	v7 =	vmul.f32 v3, v3;
	v8 =	vmul.f32 v4, v4  }
0xa2: {  	v10 =	vld [tilespmem:s21+$0x3200];
	v9 =	vadd.f32 v3, v4  }
0xa3: {  	v11 =	vmul.f32 v5, v5;
	v7 =	vadd.f32 v7, v8  }
0xa4: {  	v55 =	vld [tilespmem:s21+$0x3280];
	v54 =	vadd.f32 v5, v9  }
0xa5: {  	v12 =	vmul.f32 v6, v6;
	v7 =	vadd.f32 v11, v7  }
0xa6: {  	s6 =	sor.u32 s11, s10;
	v56 =	vld [tilespmem:s21+$0x3300];
	v8 =	vadd.f32 v6, v54  }
0xa7: {  	s6 =	sor.u32 $0x380, s6;
	v13 =	vmul.f32 v10, v10;
	v7 =	vadd.f32 v12, v7  }
0xa8: {  	v57 =	vld [tilespmem:s6+$0x3000];
	v8 =	vadd.f32 v10, v8  }
0xa9: {  	v14 =	vmul.f32 v55, v55;
	v7 =	vadd.f32 v13, v7  }
0xaa: {  	v58 =	vld [tilespmem:s21+$0x3800];
	v8 =	vadd.f32 v55, v8  }
0xab: {  	v59 =	vld [tilespmem:s21+$0x3880];
	v15 =	vmul.f32 v56, v56;
	v7 =	vadd.f32 v14, v7  }
0xac: {  	v60 =	vld [tilespmem:s21+$0x3900];
	v8 =	vadd.f32 v56, v8  }
0xad: {  	v61 =	vld [tilespmem:s21+$0x3980];
	v16 =	vmul.f32 v57, v57;
	v7 =	vadd.f32 v15, v7  }
0xae: {  	v19 =	vld [tilespmem:s21+$0x3A00];
	v8 =	vadd.f32 v57, v8  }
0xaf: {  	v63 =	vld [tilespmem:s21+$0x3B00];
	v17 =	vmul.f32 v58, v58;
	v7 =	vadd.f32 v16, v7  }
0xb0: {  	v22 =	vld [tilespmem:s21+$0x4000];
	v8 =	vadd.f32 v58, v8  }
0xb1: {  	v24 =	vld [tilespmem:s21+$0x4080];
	v18 =	vmul.f32 v59, v59;
	v7 =	vadd.f32 v17, v7  }
0xb2: {  	v26 =	vld [tilespmem:s21+$0x4100];
	v62 =	vmax.f32 v4, v3;
	v8 =	vadd.f32 v59, v8  }
0xb3: {  	v28 =	vld [tilespmem:s21+$0x4180];
	v3 =	vmin.f32 v4, v3;
	v4 =	vadd.f32 v18, v7;
	v7 =	vmul.f32 v60, v60  }
0xb4: {  	v3 =	vmin.f32 v3, v5;
	v17 =	vmax.f32 v62, v5;
	v5 =	vld [tilespmem:s21+$0x3A80];
	v8 =	vadd.f32 v60, v8  }
0xb5: {  	v20 =	vmul.f32 v19, v19;
	v4 =	vadd.f32 v7, v4;
	v7 =	vmul.f32 v61, v61  }
0xb6: {  	v23 =	vmul.f32 v63, v63;
	v27 =	vmul.f32 v22, v22;
	v8 =	vadd.f32 v61, v8  }
0xb7: {  	v29 =	vmul.f32 v24, v24;
	v30 =	vmul.f32 v26, v26;
	v4 =	vadd.f32 v7, v4  }
0xb8: {  	v31 =	vmul.f32 v28, v28;
	v3 =	vmin.f32 v3, v6;
	v7 =	vld [tilespmem:s21+$0x3B80];
	v8 =	vadd.f32 v19, v8  }
0xb9: {  	v17 =	vmax.f32 v17, v6;
	v21 =	vmul.f32 v5, v5;
	v4 =	vadd.f32 v20, v4  }
0xba: {  	v3 =	vmin.f32 v3, v10;
	v6 =	vmax.f32 v17, v10;
	v8 =	vadd.f32 v5, v8  }
0xbb: {  	v3 =	vmin.f32 v3, v55;
	v6 =	vmax.f32 v6, v55;
	v4 =	vadd.f32 v21, v4  }
0xbc: {  	v3 =	vmin.f32 v3, v56;
	v6 =	vmax.f32 v6, v56;
	v8 =	vadd.f32 v63, v8  }
0xbd: {  	v6 =	vmax.f32 v6, v57;
	v25 =	vmul.f32 v7, v7;
	v4 =	vadd.f32 v23, v4  }
0xbe: {  	v3 =	vmin.f32 v3, v57;
	v6 =	vmax.f32 v6, v58;
	v8 =	vadd.f32 v7, v8  }
0xbf: {  	v3 =	vmin.f32 v3, v58;
	v6 =	vmax.f32 v6, v59;
	v4 =	vadd.f32 v25, v4  }
0xc0: {  	v3 =	vmin.f32 v3, v59;
	v6 =	vmax.f32 v6, v60;
	v8 =	vadd.f32 v22, v8  }
0xc1: {  	v3 =	vmin.f32 v3, v60;
	v6 =	vmax.f32 v6, v61;
	v4 =	vadd.f32 v27, v4  }
0xc2: {  	v3 =	vmin.f32 v3, v61;
	v6 =	vmax.f32 v6, v19;
	v8 =	vadd.f32 v24, v8  }
0xc3: {  	v3 =	vmin.f32 v3, v19;
	v6 =	vmax.f32 v6, v5;
	v4 =	vadd.f32 v29, v4  }
0xc4: {  	v3 =	vmin.f32 v3, v5;
	v6 =	vmax.f32 v6, v63;
	v5 =	vadd.f32 v26, v8  }
0xc5: {  	v3 =	vmin.f32 v3, v63;
	v6 =	vmax.f32 v6, v7;
	v4 =	vadd.f32 v30, v4  }
0xc6: {  	s22 =	sadd.s32 s4, s9;
	s23 =	sshll.u32 s30, $0x1;
	v3 =	vmin.f32 v3, v7;
	v6 =	vmax.f32 v6, v22;
	v5 =	vadd.f32 v28, v5  }
0xc7: {  	s7 =	sadd.s32 s4, s13;
	s5 =	sadd.s32 s15, s22;
	s13 =	sadd.s32 s28, s23;
	v3 =	vmin.f32 v3, v22;
	v6 =	vmax.f32 v6, v24;
	v4 =	vadd.f32 v31, v4  }
0xc8: {  	s25 =	sadd.s32 s4, s16;
	s9 =	sadd.s32 s15, s7;
	p0 =	sgt.u32 s13, $0x1FD;
	v3 =	vmin.f32 v3, v24;
	v6 =	vmax.f32 v6, v26;
	[tilespmem:s5+$0x0] =	vst v5  }
0xc9: {  	s4 =	sadd.s32 s4, s17;
	s6 =	sadd.s32 s15, s25;
	v3 =	vmin.f32 v3, v26;
	v5 =	vmax.f32 v6, v28;
	s5 =	smul.u32 @!p0 $0x60, s13;
	[tilespmem:s9+$0x0] =	vst v4  }
0xca: {  	s4 =	sadd.s32 s15, s4;
	v3 =	vmin.f32 v3, v28;
	[tilespmem:s6+$0x0] =	vst v5  }
0xcb: {  	[tilespmem:s4+$0x0] =	vst v3;
	s4 =	sshra.s32 @!p0 s5, $0x2  }
0xcc: {  	v3 =	vld @!p0 [tilespmem:s4+$0x30];
	_ =	sdelay $0x4  }
0xcd: {  	v4 =	vshll.u32 @!p0 v3, $0x1  }
0xce: {  	v5 =	vlaneseq.u32 @!p0;
	v3 =	vand.u32 @!p0 $0x7, v3;
	v4 =	vand.u32 @!p0 $0xFFFFFFF0, v4  }
0xcf: {  	v6 =	vshrl.u32 @!p0 v5, $0x3;
	v3 =	vor.u32 @!p0 v3, v4;
	v4 =	vand.u32 @!p0 $0x7, v5  }
0xd0: {  	v6 =	vmul.u32 @!p0 $0x8, v6;
	v7 =	vperm.xlane @!p0 v3, v4  }
0xd1: {  	v5 =	vor.u32 @!p0 $0x8, v5  }
0xd2: {  	v3 =	vperm.xlane @!p0 v3, v5;
	v7 =	vadd.s32 @!p0 v6, v7;
	_ =	sdelay $0x1  }
0xd3: {  	v3 =	vadd.s32 @!p0 v6, v3;
	_ =	sdelay $0x1  }
0xd4: {  	vm2 =	vmmov @!p0 $0xffff;
	s6 =	simm.s32 @!p0 $0x3000;
	s5 =	simm.s32 @!p0 $0x0  }
0xd5: {  	[tilespmem:s6], [sflag:$0x1] =	stream.indirect_vreg.gather @!p0 [hbm4b:s2+s5], $0x80, v7, vm2, $0xb8;
	[tilespmem:$0xE000] =	vst v63  }
0xd6: {  	s6 =	simm.s32 @!p0 $0x3800  }
0xd7: {  	[tilespmem:s6], [sflag:$0x1] =	stream.indirect_vreg.gather @!p0 [hbm4b:s2+s5], $0x80, v3, vm2, $0xb8;
	[tilespmem:$0xE000] =	vst v63  }
0xd8: {  	v3 =	vld.msk @!p0 [tilespmem:s4+$0x40], $0xf;
	_ =	sdelay $0x4  }
0xd9: {  	v5 =	vshll.u32 @!p0 v3, $0x1  }
0xda: {  	v3 =	vand.u32 @!p0 $0x7, v3;
	v5 =	vand.u32 @!p0 $0xFFFFFFF0, v5  }
0xdb: {  	v3 =	vor.u32 @!p0 v3, v5  }
0xdc: {  	v3 =	vperm.xlane @!p0 v3, v4;
	_ =	sdelay $0x1  }
0xdd: {  	v3 =	vadd.s32 @!p0 v6, v3;
	_ =	sdelay $0x2  }
0xde: {  	vm3 =	vcmask @!p0 $0xF00;
	vm2 =	vcmask @!p0 $0x2F20  }
0xdf: {  	vm2 =	vmor @!p0 vm3, vm2;
	s4 =	simm.s32 @!p0 $0x4000  }
0xe0: {  	[tilespmem:s4], [sflag:$0x1] =	stream.indirect_vreg.gather @!p0 [hbm4b:s2+s5], $0x80, v3, vm2, $0xb8;
	[tilespmem:$0xE000] =	vst v63  }
0xe1: {  	s10 =	simm.s32 $0x0;
	_ =	swait.ge [sflag:s19], $0x1400  }
0xe2: {  	s11 =	sand.u32 $0x70, s10;
	s5 =	sand.u32 $0x400, s10;
	[sflag:s19] =	ssyncset.done $0x0  }
0xe3: {  	s16 =	sor.u32 s11, s5;
	[sflag:s19] =	ssyncadd.s32 $0xFFFFEC00  }
0xe4: {  	v3 =	vld [tilespmem:s16+$0x4880]  }
0xe5: {  	v4 =	vld [tilespmem:s16+$0x4800];
	_ =	sdelay $0x1  }
0xe6: {  	v5 =	vld [tilespmem:s16+$0x4900];
	_ =	sdelay $0x1  }
0xe7: {  	v6 =	vld [tilespmem:s16+$0x4980]  }
0xe8: {  	v7 =	vmul.f32 v3, v3;
	v32 =	vmul.f32 v4, v4  }
0xe9: {  	v34 =	vld [tilespmem:s16+$0x4A00];
	v33 =	vadd.f32 v3, v4  }
0xea: {  	v35 =	vmul.f32 v5, v5;
	v7 =	vadd.f32 v7, v32  }
0xeb: {  	v37 =	vld [tilespmem:s16+$0x4A80];
	v36 =	vadd.f32 v5, v33  }
0xec: {  	v38 =	vmul.f32 v6, v6;
	v7 =	vadd.f32 v35, v7  }
0xed: {  	v39 =	vld [tilespmem:s16+$0x4B00];
	v8 =	vadd.f32 v6, v36  }
0xee: {  	v40 =	vmul.f32 v34, v34;
	v7 =	vadd.f32 v38, v7  }
0xef: {  	v41 =	vld [tilespmem:s16+$0x4B80];
	v8 =	vadd.f32 v34, v8  }
0xf0: {  	v42 =	vmul.f32 v37, v37;
	v7 =	vadd.f32 v40, v7  }
0xf1: {  	v43 =	vld [tilespmem:s16+$0x5000];
	v8 =	vadd.f32 v37, v8  }
0xf2: {  	v44 =	vmul.f32 v39, v39;
	v7 =	vadd.f32 v42, v7  }
0xf3: {  	v45 =	vld [tilespmem:s16+$0x5080];
	v8 =	vadd.f32 v39, v8  }
0xf4: {  	v47 =	vld [tilespmem:s16+$0x5100];
	v46 =	vmul.f32 v41, v41;
	v7 =	vadd.f32 v44, v7  }
0xf5: {  	v49 =	vld [tilespmem:s16+$0x5180];
	v8 =	vadd.f32 v41, v8  }
0xf6: {  	v55 =	vld [tilespmem:s16+$0x5380];
	v48 =	vmul.f32 v43, v43;
	v7 =	vadd.f32 v46, v7  }
0xf7: {  	v56 =	vld [tilespmem:s16+$0x5800];
	v8 =	vadd.f32 v43, v8  }
0xf8: {  	v57 =	vld [tilespmem:s16+$0x5880];
	v50 =	vmul.f32 v45, v45;
	v7 =	vadd.f32 v48, v7  }
0xf9: {  	v51 =	vmax.f32 v4, v3;
	v3 =	vmin.f32 v4, v3;
	v4 =	vld [tilespmem:s16+$0x5200];
	v8 =	vadd.f32 v45, v8  }
0xfa: {  	v60 =	vld [tilespmem:s16+$0x5980];
	v52 =	vmul.f32 v47, v47;
	v17 =	vmax.f32 v51, v5;
	v7 =	vadd.f32 v50, v7  }
0xfb: {  	v53 =	vld [tilespmem:s16+$0x5280];
	v3 =	vmin.f32 v3, v5;
	v5 =	vmax.f32 v17, v6;
	v8 =	vadd.f32 v47, v8  }
0xfc: {  	v3 =	vmin.f32 v3, v6;
	v6 =	vadd.f32 v52, v7;
	v7 =	vmul.f32 v49, v49  }
0xfd: {  	v54 =	vld [tilespmem:s16+$0x5300];
	v58 =	vmul.f32 v55, v55;
	v59 =	vmul.f32 v56, v56;
	v8 =	vadd.f32 v49, v8  }
0xfe: {  	v61 =	vmul.f32 v57, v57;
	v6 =	vadd.f32 v7, v6;
	v7 =	vmul.f32 v4, v4  }
0xff: {  	v63 =	vmul.f32 v60, v60;
	v5 =	vmax.f32 v5, v34;
	v8 =	vadd.f32 v4, v8  }
0x100: {  	v3 =	vmin.f32 v3, v34;
	v6 =	vadd.f32 v7, v6;
	v7 =	vmul.f32 v53, v53  }
0x101: {  	v5 =	vmax.f32 v5, v37;
	v3 =	vmin.f32 v3, v37;
	v8 =	vadd.f32 v53, v8  }
0x102: {  	v5 =	vmax.f32 v5, v39;
	v6 =	vadd.f32 v7, v6;
	v7 =	vmul.f32 v54, v54  }
0x103: {  	v3 =	vmin.f32 v3, v39;
	v5 =	vmax.f32 v5, v41;
	v8 =	vadd.f32 v54, v8  }
0x104: {  	v3 =	vmin.f32 v3, v41;
	v5 =	vmax.f32 v5, v43;
	v6 =	vadd.f32 v7, v6  }
0x105: {  	v3 =	vmin.f32 v3, v43;
	v5 =	vmax.f32 v5, v45;
	v7 =	vld [tilespmem:s16+$0x5900];
	v8 =	vadd.f32 v55, v8  }
0x106: {  	v3 =	vmin.f32 v3, v45;
	v5 =	vmax.f32 v5, v47;
	v6 =	vadd.f32 v58, v6  }
0x107: {  	v3 =	vmin.f32 v3, v47;
	v5 =	vmax.f32 v5, v49;
	v8 =	vadd.f32 v56, v8  }
0x108: {  	v3 =	vmin.f32 v3, v49;
	v5 =	vmax.f32 v5, v4;
	v6 =	vadd.f32 v59, v6  }
0x109: {  	v3 =	vmin.f32 v3, v4;
	v5 =	vmax.f32 v5, v53;
	v4 =	vadd.f32 v57, v8  }
0x10a: {  	v3 =	vmin.f32 v3, v53;
	v62 =	vmul.f32 v7, v7;
	v6 =	vadd.f32 v61, v6  }
0x10b: {  	s20 =	simm.s32 $0x10;
	s17 =	sor.u32 $0x80, s14;
	v5 =	vmax.f32 v5, v54;
	v3 =	vmin.f32 v3, v54;
	v4 =	vadd.f32 v7, v4  }
0x10c: {  	s14 =	sadd.s32 s17, s1;
	s15 =	sadd.s32 s17, s31;
	s1 =	sadd.s32 s17, s12;
	v5 =	vmax.f32 v5, v55;
	v3 =	vmin.f32 v3, v55;
	v6 =	vadd.f32 v62, v6  }
0x10d: {  	s9 =	sadd.s32 s17, s0;
	s0 =	sand.u32 $0x70, s20;
	s21 =	sadd.s32 s5, s14;
	v5 =	vmax.f32 v5, v56;
	v3 =	vmin.f32 v3, v56;
	v4 =	vadd.f32 v60, v4  }
0x10e: {  	s10 =	simm.s32 $0x80;
	s22 =	sadd.s32 s5, s15;
	s6 =	sadd.s32 s11, s21;
	v5 =	vmax.f32 v5, v57;
	v3 =	vmin.f32 v3, v57;
	v6 =	vadd.f32 v63, v6  }
0x10f: {  	s23 =	sadd.s32 s5, s9;
	s25 =	sadd.s32 s5, s1;
	s31 =	sadd.s32 s11, s22;
	v5 =	vmax.f32 v5, v7;
	v3 =	vmin.f32 v3, v7;
	[tilespmem:s6+$0x0] =	vst v4  }
0x110: {  	s5 =	sadd.s32 s11, s23;
	s17 =	sadd.s32 s11, s25;
	s16 =	simm.s32 $0x20;
	v3 =	vmin.f32 v3, v60;
	v4 =	vmax.f32 v5, v60;
	[tilespmem:s31+$0x0] =	vst v6  }
.LBB2_6:
0x111: {  	s11 =	sand.u32 $0x70, s16  }
0x112: {  	s6 =	sand.u32 $0x400, s10;
	[tilespmem:s5+$0x0] =	vst v4;
	s4 =	smov.u32 s16;
	s12 =	sadd.s32 $0x10, s16  }
0x113: {  	s5 =	sor.u32 s0, s6;
	s20 =	sadd.s32 s6, s14;
	s4 =	sadd.s32 s6, s15;
	[tilespmem:s17+$0x0] =	vst v3  }
0x114: {  	p0 =	sne.s32 s16, $0xF0;
	s17 =	sadd.s32 s6, s9;
	s16 =	sadd.s32 s6, s1;
	v3 =	vld [tilespmem:s5+$0x4880]  }
0x115: {  	v4 =	vld [tilespmem:s5+$0x4800]  }
0x116: {  	v5 =	vld [tilespmem:s5+$0x4900];
	_ =	sdelay $0x1  }
0x117: {  	v6 =	vld [tilespmem:s5+$0x4980]  }
0x118: {  	v7 =	vmul.f32 v3, v3  }
0x119: {  	v8 =	vmul.f32 v4, v4;
	v9 =	vadd.f32 v3, v4;
	v10 =	vmax.f32 v4, v3;
	v11 =	vld [tilespmem:s5+$0x4A00]  }
0x11a: {  	v3 =	vmin.f32 v4, v3;
	v4 =	vmul.f32 v5, v5;
	v10 =	vmax.f32 v10, v5  }
0x11b: {  	v3 =	vmin.f32 v3, v5;
	v7 =	vadd.f32 v7, v8;
	v8 =	vadd.f32 v5, v9;
	v5 =	vld [tilespmem:s5+$0x4A80]  }
0x11c: {  	v9 =	vmul.f32 v6, v6;
	v10 =	vmax.f32 v10, v6  }
0x11d: {  	v4 =	vadd.f32 v4, v7;
	v7 =	vadd.f32 v6, v8;
	v8 =	vld [tilespmem:s5+$0x4B00]  }
0x11e: {  	v12 =	vmul.f32 v11, v11;
	v10 =	vmax.f32 v10, v11  }
0x11f: {  	v3 =	vmin.f32 v3, v6;
	v4 =	vadd.f32 v9, v4;
	v6 =	vadd.f32 v11, v7;
	v7 =	vld [tilespmem:s5+$0x4B80]  }
0x120: {  	v3 =	vmin.f32 v3, v11;
	v9 =	vmul.f32 v5, v5;
	v10 =	vmax.f32 v10, v5  }
0x121: {  	v3 =	vmin.f32 v3, v5;
	v4 =	vadd.f32 v12, v4;
	v6 =	vadd.f32 v5, v6;
	v5 =	vld [tilespmem:s5+$0x5000]  }
0x122: {  	v11 =	vmul.f32 v8, v8;
	v10 =	vmax.f32 v10, v8;
	v3 =	vmin.f32 v3, v8  }
0x123: {  	v4 =	vadd.f32 v9, v4;
	v6 =	vadd.f32 v8, v6;
	v8 =	vld [tilespmem:s5+$0x5080]  }
0x124: {  	v9 =	vmul.f32 v7, v7;
	v10 =	vmax.f32 v10, v7;
	v3 =	vmin.f32 v3, v7;
	v12 =	vld [tilespmem:s5+$0x5100]  }
0x125: {  	v4 =	vadd.f32 v11, v4;
	v6 =	vadd.f32 v7, v6;
	v7 =	vld [tilespmem:s5+$0x5180]  }
0x126: {  	v11 =	vmul.f32 v5, v5;
	v10 =	vmax.f32 v10, v5;
	v3 =	vmin.f32 v3, v5;
	v13 =	vld [tilespmem:s5+$0x5200]  }
0x127: {  	v4 =	vadd.f32 v9, v4;
	v5 =	vadd.f32 v5, v6;
	v6 =	vld [tilespmem:s5+$0x5280]  }
0x128: {  	v9 =	vmul.f32 v8, v8;
	v10 =	vmax.f32 v10, v8;
	v3 =	vmin.f32 v3, v8;
	v14 =	vld [tilespmem:s5+$0x5300]  }
0x129: {  	v4 =	vadd.f32 v11, v4;
	v5 =	vadd.f32 v8, v5;
	v8 =	vmax.f32 v10, v12;
	v10 =	vld [tilespmem:s5+$0x5380]  }
0x12a: {  	v11 =	vmul.f32 v12, v12;
	v3 =	vmin.f32 v3, v12;
	v8 =	vmax.f32 v8, v7;
	v15 =	vld [tilespmem:s5+$0x5800]  }
0x12b: {  	v4 =	vadd.f32 v9, v4;
	v5 =	vadd.f32 v12, v5;
	v8 =	vmax.f32 v8, v13;
	v9 =	vld [tilespmem:s5+$0x5880]  }
0x12c: {  	v3 =	vmin.f32 v3, v7;
	v12 =	vmul.f32 v7, v7;
	v8 =	vmax.f32 v8, v6;
	v16 =	vld [tilespmem:s5+$0x5900]  }
0x12d: {  	v4 =	vadd.f32 v11, v4;
	v5 =	vadd.f32 v7, v5;
	v7 =	vmax.f32 v8, v14  }
0x12e: {  	v3 =	vmin.f32 v3, v13;
	v8 =	vmul.f32 v13, v13;
	v7 =	vmax.f32 v7, v10  }
0x12f: {  	v4 =	vadd.f32 v12, v4;
	v5 =	vadd.f32 v13, v5;
	v7 =	vmax.f32 v7, v15  }
0x130: {  	v3 =	vmin.f32 v3, v6;
	v11 =	vmul.f32 v6, v6;
	v7 =	vmax.f32 v7, v9  }
0x131: {  	v4 =	vadd.f32 v8, v4;
	v5 =	vadd.f32 v6, v5;
	v6 =	vmax.f32 v7, v16  }
0x132: {  	v3 =	vmin.f32 v3, v14;
	v7 =	vmul.f32 v14, v14  }
0x133: {  	v3 =	vmin.f32 v3, v10;
	v4 =	vadd.f32 v11, v4;
	v5 =	vadd.f32 v14, v5  }
0x134: {  	v3 =	vmin.f32 v3, v15;
	v8 =	vmul.f32 v10, v10  }
0x135: {  	v3 =	vmin.f32 v3, v9;
	v4 =	vadd.f32 v7, v4;
	v5 =	vadd.f32 v10, v5  }
0x136: {  	v3 =	vmin.f32 v3, v16;
	v7 =	vmul.f32 v15, v15  }
0x137: {  	v4 =	vadd.f32 v8, v4;
	v5 =	vadd.f32 v15, v5;
	v8 =	vld [tilespmem:s5+$0x5980]  }
0x138: {  	v10 =	vmul.f32 v9, v9  }
0x139: {  	v4 =	vadd.f32 v7, v4;
	v5 =	vadd.f32 v9, v5  }
0x13a: {  	v7 =	vmul.f32 v16, v16  }
0x13b: {  	v4 =	vadd.f32 v10, v4;
	v5 =	vadd.f32 v16, v5  }
0x13c: {  	v9 =	vmul.f32 v8, v8  }
.Ltmp1:
0x13d: {  	v4 =	vadd.f32 v7, v4;
	v5 =	vadd.f32 v8, v5;
	(pc) =	sbr.rel @p0 .LBB2_6-.Ltmp1, $4  }
0x13e: {  	s5 =	sadd.s32 s0, s20  }
0x13f: {  	s4 =	sadd.s32 s0, s4;
	v7 =	vadd.f32 v9, v4;
	[tilespmem:s5+$0x0] =	vst v5  }
0x140: {  	s10 =	sadd.s32 $0x80, s10;
	v4 =	vmax.f32 v6, v8;
	s5 =	sadd.s32 s0, s17  }
0x141: {  	v3 =	vmin.f32 v3, v8;
	s17 =	sadd.s32 s0, s16;
	s0 =	smov.u32 s11;
	s16 =	smov.u32 s12;
	[tilespmem:s4+$0x0] =	vst v7  }
0x142: {  	s4 =	sand.u32 $0x400, s10;
	[tilespmem:s5+$0x0] =	vst v4  }
0x143: {  	s21 =	sor.u32 s0, s4;
	[tilespmem:s17+$0x0] =	vst v3  }
0x144: {  	v3 =	vld [tilespmem:s21+$0x4880]  }
0x145: {  	v4 =	vld [tilespmem:s21+$0x4800];
	_ =	sdelay $0x1  }
0x146: {  	v5 =	vld [tilespmem:s21+$0x4900];
	_ =	sdelay $0x1  }
0x147: {  	v6 =	vld [tilespmem:s21+$0x4980]  }
0x148: {  	v7 =	vmul.f32 v3, v3;
	v8 =	vmul.f32 v4, v4  }
0x149: {  	v10 =	vld [tilespmem:s21+$0x4A00];
	v9 =	vadd.f32 v3, v4  }
0x14a: {  	v11 =	vmul.f32 v5, v5;
	v7 =	vadd.f32 v7, v8  }
0x14b: {  	v33 =	vld [tilespmem:s21+$0x4A80];
	v32 =	vadd.f32 v5, v9  }
0x14c: {  	v12 =	vmul.f32 v6, v6;
	v7 =	vadd.f32 v11, v7  }
0x14d: {  	v34 =	vld [tilespmem:s21+$0x4B00];
	v8 =	vadd.f32 v6, v32  }
0x14e: {  	v35 =	vld [tilespmem:s21+$0x4B80];
	v13 =	vmul.f32 v10, v10;
	v7 =	vadd.f32 v12, v7  }
0x14f: {  	v36 =	vld [tilespmem:s21+$0x5000];
	v8 =	vadd.f32 v10, v8  }
0x150: {  	v37 =	vld [tilespmem:s21+$0x5080];
	v14 =	vmul.f32 v33, v33;
	v7 =	vadd.f32 v13, v7  }
0x151: {  	v38 =	vld [tilespmem:s21+$0x5100];
	v8 =	vadd.f32 v33, v8  }
0x152: {  	v39 =	vld [tilespmem:s21+$0x5180];
	v15 =	vmul.f32 v34, v34;
	v7 =	vadd.f32 v14, v7  }
0x153: {  	v19 =	vld [tilespmem:s21+$0x5200];
	v8 =	vadd.f32 v34, v8  }
0x154: {  	v43 =	vld [tilespmem:s21+$0x5280];
	v16 =	vmul.f32 v35, v35;
	v7 =	vadd.f32 v15, v7  }
0x155: {  	v45 =	vld [tilespmem:s21+$0x5300];
	v8 =	vadd.f32 v35, v8  }
0x156: {  	v48 =	vld [tilespmem:s21+$0x5380];
	v17 =	vmul.f32 v36, v36;
	v7 =	vadd.f32 v16, v7  }
0x157: {  	v50 =	vld [tilespmem:s21+$0x5800];
	v8 =	vadd.f32 v36, v8  }
0x158: {  	v52 =	vld [tilespmem:s21+$0x5880];
	v18 =	vmul.f32 v37, v37;
	v7 =	vadd.f32 v17, v7  }
0x159: {  	v54 =	vld [tilespmem:s21+$0x5900];
	v40 =	vmax.f32 v4, v3;
	v8 =	vadd.f32 v37, v8  }
0x15a: {  	v56 =	vld [tilespmem:s21+$0x5980];
	v3 =	vmin.f32 v4, v3;
	v42 =	vmul.f32 v38, v38;
	v41 =	vadd.f32 v18, v7  }
0x15b: {  	v44 =	vmul.f32 v39, v39;
	v46 =	vmul.f32 v19, v19;
	v8 =	vadd.f32 v38, v8  }
0x15c: {  	v49 =	vmul.f32 v43, v43;
	v51 =	vmul.f32 v45, v45;
	v4 =	vadd.f32 v42, v41  }
0x15d: {  	v53 =	vmul.f32 v48, v48;
	v55 =	vmul.f32 v50, v50;
	v8 =	vadd.f32 v39, v8  }
0x15e: {  	v57 =	vmul.f32 v52, v52;
	v58 =	vmul.f32 v54, v54;
	v4 =	vadd.f32 v44, v4  }
0x15f: {  	v61 =	vmul.f32 v56, v56;
	v17 =	vmax.f32 v40, v5;
	v8 =	vadd.f32 v19, v8  }
0x160: {  	v3 =	vmin.f32 v3, v5;
	v17 =	vmax.f32 v17, v6;
	v4 =	vadd.f32 v46, v4  }
0x161: {  	v3 =	vmin.f32 v3, v6;
	v17 =	vmax.f32 v17, v10;
	v8 =	vadd.f32 v43, v8  }
0x162: {  	v3 =	vmin.f32 v3, v10;
	v47 =	vmax.f32 v17, v33;
	v4 =	vadd.f32 v49, v4  }
0x163: {  	v3 =	vmin.f32 v3, v33;
	v10 =	vmax.f32 v47, v34;
	v8 =	vadd.f32 v45, v8  }
0x164: {  	v3 =	vmin.f32 v3, v34;
	v10 =	vmax.f32 v10, v35;
	v4 =	vadd.f32 v51, v4  }
0x165: {  	v3 =	vmin.f32 v3, v35;
	v10 =	vmax.f32 v10, v36;
	v8 =	vadd.f32 v48, v8  }
0x166: {  	v3 =	vmin.f32 v3, v36;
	v10 =	vmax.f32 v10, v37;
	v4 =	vadd.f32 v53, v4  }
0x167: {  	v3 =	vmin.f32 v3, v37;
	v10 =	vmax.f32 v10, v38;
	v8 =	vadd.f32 v50, v8  }
0x168: {  	v3 =	vmin.f32 v3, v38;
	v10 =	vmax.f32 v10, v39;
	v4 =	vadd.f32 v55, v4  }
0x169: {  	v3 =	vmin.f32 v3, v39;
	v10 =	vmax.f32 v10, v19;
	v8 =	vadd.f32 v52, v8  }
0x16a: {  	v3 =	vmin.f32 v3, v19;
	v10 =	vmax.f32 v10, v43;
	v4 =	vadd.f32 v57, v4  }
0x16b: {  	v3 =	vmin.f32 v3, v43;
	v10 =	vmax.f32 v10, v45;
	v60 =	vadd.f32 v54, v8  }
0x16c: {  	v3 =	vmin.f32 v3, v45;
	v59 =	vmax.f32 v10, v48;
	v4 =	vadd.f32 v58, v4  }
0x16d: {  	s22 =	sadd.s32 s4, s14;
	v3 =	vmin.f32 v3, v48;
	v7 =	vmax.f32 v59, v50;
	v5 =	vadd.f32 v56, v60  }
0x16e: {  	s6 =	sadd.s32 s4, s15;
	s5 =	sadd.s32 s0, s22;
	v3 =	vmin.f32 v3, v50;
	v7 =	vmax.f32 v7, v52;
	v4 =	vadd.f32 v61, v4  }
0x16f: {  	p0 =	sgt.u32 s13, $0x1FC;
	s7 =	sadd.s32 s4, s9;
	s23 =	sadd.s32 s0, s6;
	v3 =	vmin.f32 v3, v52;
	v62 =	vmax.f32 v7, v54;
	[tilespmem:s5+$0x0] =	vst v5  }
0x170: {  	s1 =	sadd.s32 s4, s1;
	s25 =	sadd.s32 s0, s7;
	v3 =	vmin.f32 v3, v54;
	v63 =	vmax.f32 v62, v56;
	s5 =	smul.u32 @!p0 $0x60, s13;
	[tilespmem:s23+$0x0] =	vst v4  }
0x171: {  	s31 =	sadd.s32 s0, s1;
	v3 =	vmin.f32 v3, v56;
	[tilespmem:s25+$0x0] =	vst v63  }
0x172: {  	s0 =	sshra.s32 @!p0 s5, $0x2;
	[tilespmem:s31+$0x0] =	vst v3  }
0x173: {  	v3 =	vld @!p0 [tilespmem:s0+$0x48];
	_ =	sdelay $0x4  }
0x174: {  	v4 =	vshll.u32 @!p0 v3, $0x1  }
0x175: {  	v5 =	vlaneseq.u32 @!p0;
	v3 =	vand.u32 @!p0 $0x7, v3;
	v4 =	vand.u32 @!p0 $0xFFFFFFF0, v4  }
0x176: {  	v6 =	vshrl.u32 @!p0 v5, $0x3;
	v3 =	vor.u32 @!p0 v3, v4;
	v4 =	vand.u32 @!p0 $0x7, v5  }
0x177: {  	v6 =	vmul.u32 @!p0 $0x8, v6;
	v7 =	vperm.xlane @!p0 v3, v4  }
0x178: {  	v5 =	vor.u32 @!p0 $0x8, v5  }
0x179: {  	v3 =	vperm.xlane @!p0 v3, v5;
	v7 =	vadd.s32 @!p0 v6, v7;
	_ =	sdelay $0x1  }
0x17a: {  	v3 =	vadd.s32 @!p0 v6, v3;
	_ =	sdelay $0x1  }
0x17b: {  	vm2 =	vmmov @!p0 $0xffff;
	s4 =	simm.s32 @!p0 $0x4800;
	s1 =	simm.s32 @!p0 $0x0  }
0x17c: {  	[tilespmem:s4], [sflag:$0x2] =	stream.indirect_vreg.gather @!p0 [hbm4b:s2+s1], $0x80, v7, vm2, $0xb8;
	[tilespmem:$0xE000] =	vst v63  }
0x17d: {  	s4 =	simm.s32 @!p0 $0x5000  }
0x17e: {  	[tilespmem:s4], [sflag:$0x2] =	stream.indirect_vreg.gather @!p0 [hbm4b:s2+s1], $0x80, v3, vm2, $0xb8;
	[tilespmem:$0xE000] =	vst v63  }
0x17f: {  	v3 =	vld.msk @!p0 [tilespmem:s0+$0x58], $0xf;
	_ =	sdelay $0x4  }
0x180: {  	v5 =	vshll.u32 @!p0 v3, $0x1  }
0x181: {  	v3 =	vand.u32 @!p0 $0x7, v3;
	v5 =	vand.u32 @!p0 $0xFFFFFFF0, v5  }
0x182: {  	v3 =	vor.u32 @!p0 v3, v5  }
0x183: {  	v3 =	vperm.xlane @!p0 v3, v4;
	_ =	sdelay $0x1  }
0x184: {  	v3 =	vadd.s32 @!p0 v6, v3;
	_ =	sdelay $0x2  }
0x185: {  	vm3 =	vcmask @!p0 $0xF00;
	vm2 =	vcmask @!p0 $0x2F20  }
0x186: {  	s30 =	sadd.s32 $0x1, s30;
	vm2 =	vmor @!p0 vm3, vm2;
	s0 =	simm.s32 @!p0 $0x5800  }
0x187: {  	[tilespmem:s0], [sflag:$0x2] =	stream.indirect_vreg.gather @!p0 [hbm4b:s2+s1], $0x80, v3, vm2, $0xb8;
	[tilespmem:$0xE000] =	vst v63  }
0x188: {  	p0 =	sne.s32 s30, $0x10  }
.Ltmp2:
0x189: {  	_ = 	snop;
	(pc) =	sbr.rel @p0 .LBB2_3-.Ltmp2, $1  }
0x18a: {  	_ =	sdelay $0x3  }
0x18b: {  	s0 =	sshll.u32 s26, $0xA  }
0x18c: {  	s1 =	rddreg [dreg:$0x3];
	s0 =	sadd.s32 s8, s0  }
0x18d: {  	s4 =	simm.s32 $0x6000;
	s22 =	rddreg [dreg:$0x4];
	s1 =	sadd.s32 s1, s0  }
0x18e: {  	[hbm4b:s1+s3] =	stream.linear.scatter [tilespmem:s4], [sflag:$0x3], $0x2000, $0x38;
	[tilespmem:$0xE000] =	vst v63  }
0x18f: {  	s23 =	simm.s32 $0x8000;
	s25 =	rddreg [dreg:$0x5];
	s1 =	sadd.s32 s22, s0  }
0x190: {  	[hbm4b:s1+s3] =	stream.linear.scatter [tilespmem:s23], [sflag:$0x3], $0x2000, $0x38;
	[tilespmem:$0xE000] =	vst v63  }
0x191: {  	s28 =	simm.s32 $0xA000;
	s30 =	rddreg [dreg:$0x6];
	s1 =	sadd.s32 s25, s0  }
0x192: {  	[hbm4b:s1+s3] =	stream.linear.scatter [tilespmem:s28], [sflag:$0x3], $0x2000, $0x38;
	[tilespmem:$0xE000] =	vst v63  }
0x193: {  	s31 =	simm.s32 $0xC000;
	s0 =	sadd.s32 s30, s0  }
0x194: {  	[hbm4b:s0+s3] =	stream.linear.scatter [tilespmem:s31], [sflag:$0x3], $0x2000, $0x38;
	[tilespmem:$0xE000] =	vst v63  }
0x195: {  	_ =	swait.ge [sflag:s24], $0x2000  }
0x196: {  	[sflag:s24] =	ssyncset.done $0x0  }
0x197: {  	[sflag:s24] =	ssyncadd.s32 $0xFFFFE000  }
0x198: {  	_ =	swait.ge [sflag:s24], $0x2000  }
0x199: {  	[sflag:s24] =	ssyncset.done $0x0  }
0x19a: {  	s26 =	sadd.s32 $0x1, s26;
	[sflag:s24] =	ssyncadd.s32 $0xFFFFE000  }
0x19b: {  	p0 =	sne.s32 s26, $0x10;
	_ =	swait.ge [sflag:s24], $0x2000  }
.Ltmp3:
0x19c: {  	[sflag:s24] =	ssyncset.done $0x0;
	(pc) =	sbr.rel @p0 .LBB2_2-.Ltmp3, $4  }
0x19d: {  	[sflag:s24] =	ssyncadd.s32 $0xFFFFE000  }
0x19e: {  	_ =	swait.ge [sflag:s24], $0x2000  }
0x19f: {  	[sflag:s24] =	ssyncset.done $0x0  }
0x1a0: {  	[sflag:s24] =	ssyncadd.s32 $0xFFFFE000  }
0x1a1: {  	s1 =	rddreg [dreg:$0x9]  }
0x1a2: {  	s0 =	rddreg [dreg:$0x8];
	s1 =	sadd.s32 $0x1, s1  }
0x1a3: {  	p0 =	sne.s32 s1, s0  }
.Ltmp4:
0x1a4: {  	_ = 	snop;
	(pc) =	sbr.rel @p0 .LBB2_1-.Ltmp4, $1  }
0x1a5: {  	_ =	sdelay $0x3  }
0x1a6: {  	_ =	sfence.sel $0x180000  }
0x1a7: {  	[bflag:$0x0] =	sbarrier.arrive $0xFFFF  }
0x1a8: {  	_ =	strace $0x90000047  }
0x1a9: {  	s0 =	stileid.u32;
	[bflag:$0x2] =	sbarrier.arrive $0xFFFF  }
0x1aa: {  	p0 =	sne.s32 s0, $0x0;
	s0 =	rddreg [dreg:$0x2]  }
0x1ab: {  	s0 =	sadd.s32 @!p0 $0x100000, s0  }
0x1ac: {  	[sflag:s0] =	ssyncadd.tile.s32 @!p0 $0x1;
	_ =	shalt  }
.Lfunc_end2:
_tile_overlayer_lowered:
.L_overlay_start_2:
0x1ad: {  	(tag) =	ssettag $0x2  }
0x1ae: {  	s0 =	rddreg [dreg:$0x0];
	s2 =	stileid.u32  }
0x1af: {  	s1 =	rddreg [dreg:$0x1];
	p0 =	sne.s32 s2, $0x0  }
0x1b0: {  	s3 =	rddreg [dreg:$0x2];
	[bflag:$0x3] =	sbarrier.arrive $0xFFFF;
	s2 =	simm.s32 @!p0 $0x1C04  }
0x1b1: {  	[timem:s3], [sflag:s2] =	dma.local @!p0 [hbm:s0], s1  }
0x1b2: {  	s0 =	simm.s32 @!p0 $0x4  }
0x1b3: {  	_ =	swait.ge @!p0 [sflag:s0], s1  }
0x1b4: {  	s1 =	ssub.s32 @!p0 $0x0, s1;
	[sflag:s0] =	ssyncset.done @!p0 $0x0  }
0x1b5: {  	[sflag:s0] =	ssyncadd.s32 @!p0 s1  }
0x1b6: {  	[bflag:$0x3] =	sbarrier.arrive $0xFFFF  }
0x1b7: {  	_ =	shalt  }

</sc_bundles>
